<compile_context>
chip_gen: v7x
topology: tpu7x:2x2x1
jax: 0.10.2.dev20260603
libtpu: 0.0.44.dev20260713+nightly
codegen_flags: <defaults>
</compile_context>

<pallas_src>
import functools

import jax
import jax.numpy as jnp
from jax import lax
from jax.experimental import pallas as pl
from jax.experimental.pallas import tpu as pltpu
from jax.experimental.pallas import tpu_sc as plsc

f32 = jnp.float32
bf16 = jnp.bfloat16

_N = 10000
_E = 160000
_D = 256
_NP = 10240
_CH = 80
_NC, _NS = 2, 16
_EPT = _E // _NS
_NG = _EPT // _CH
_RPT = _NP // _NS


def _sc_aggregate(xb, ei):
  mesh = plsc.VectorSubcoreMesh(core_axis_name="c", subcore_axis_name="s")

  @functools.partial(
      pl.kernel,
      out_type=[jax.ShapeDtypeStruct((_NC, _NP, _D), bf16),
                jax.ShapeDtypeStruct((_NC, _NP, 16), f32)],
      mesh=mesh,
      scratch_types=[
          pltpu.VMEM((4, _CH), jnp.int32),
          pltpu.VMEM((4, _CH), jnp.int32),
          pltpu.VMEM((3, _CH, _D), bf16),
          pltpu.VMEM((_CH, 16), f32),
          pltpu.VMEM_SHARED((_NP, _D), bf16),
          pltpu.VMEM_SHARED((_NP, 16), f32),
          pltpu.SemaphoreType.DMA((4,)),
          pltpu.SemaphoreType.DMA((3,)),
          pltpu.SemaphoreType.DMA((3,)),
      ],
      compiler_params=pltpu.CompilerParams(use_tc_tiling_on_sc=False),
  )
  def body(x_hbm, ei_hbm, out_hbm, outc_hbm, sidx, didx, rows3, ones,
           acc, cnt, sem_i, sem_r, sem_w):
    cid = lax.axis_index("c")
    sid = lax.axis_index("s")
    nb = (_NG + 1) // 2 - cid

    def idx_start(gg):
      g = 2 * gg + cid
      pltpu.async_copy(ei_hbm.at[0, sid, g], sidx.at[gg % 4],
                       sem_i.at[gg % 4])
      pltpu.async_copy(ei_hbm.at[1, sid, g], didx.at[gg % 4],
                       sem_i.at[gg % 4])

    def idx_wait(gg):
      g = 2 * gg + cid
      pltpu.make_async_copy(ei_hbm.at[0, sid, g], sidx.at[gg % 4],
                            sem_i.at[gg % 4]).wait()
      pltpu.make_async_copy(ei_hbm.at[1, sid, g], didx.at[gg % 4],
                            sem_i.at[gg % 4]).wait()

    def gather_start(gg):
      pltpu.async_copy(x_hbm.at[sidx.at[gg % 4]], rows3.at[gg % 3],
                       sem_r.at[gg % 3])

    def gather_wait(gg):
      pltpu.make_async_copy(x_hbm.at[sidx.at[gg % 4]], rows3.at[gg % 3],
                            sem_r.at[gg % 3]).wait()

    def scatter_start(gg):
      pltpu.async_copy(rows3.at[gg % 3], acc.at[didx.at[gg % 4]],
                       sem_w.at[gg % 3], add=True)
      pltpu.async_copy(ones, cnt.at[didx.at[gg % 4]], sem_w.at[gg % 3],
                       add=True)

    def scatter_wait(gg):
      pltpu.make_async_copy(rows3.at[gg % 3], acc.at[didx.at[gg % 4]],
                            sem_w.at[gg % 3]).wait()
      pltpu.make_async_copy(ones, cnt.at[didx.at[gg % 4]],
                            sem_w.at[gg % 3]).wait()

    idx_start(0)
    idx_start(1)

    zero = jnp.zeros((16,), f32)
    zero32 = jnp.zeros((32,), bf16)
    rows0 = rows3.at[0]

    def zrows(k, c):
      rows0[k // (_D // 32), pl.ds((k % (_D // 32)) * 32, 32)] = zero32
      return c

    lax.fori_loop(0, _CH * (_D // 32), zrows, 0)

    def zones(k, c):
      ones[k, pl.ds(0, 16)] = zero
      return c

    lax.fori_loop(0, _CH, zones, 0)

    def zacc(k, c):
      pltpu.sync_copy(rows0, acc.at[pl.ds(sid * _RPT + k * _CH, _CH)])
      return c

    lax.fori_loop(0, _RPT // _CH, zacc, 0)

    def zcnt(k, c):
      pltpu.sync_copy(ones, cnt.at[pl.ds(sid * _RPT + k * _CH, _CH)])
      return c

    lax.fori_loop(0, _RPT // _CH, zcnt, 0)

    one = jnp.ones((16,), f32)

    def fones(k, c):
      ones[k, pl.ds(0, 16)] = one
      return c

    lax.fori_loop(0, _CH, fones, 0)
    plsc.subcore_barrier()

    idx_wait(0)
    gather_start(0)

    def step(gg, c):
      gather_wait(gg)

      @pl.when(gg >= 2)
      def _():
        scatter_wait(gg - 2)

      @pl.when(gg + 2 < nb)
      def _():
        idx_start(gg + 2)

      @pl.when(gg + 1 < nb)
      def _():
        idx_wait(gg + 1)
        gather_start(gg + 1)

      scatter_start(gg)
      return c

    lax.fori_loop(0, nb, step, 0)
    scatter_wait(nb - 2)
    scatter_wait(nb - 1)
    plsc.subcore_barrier()

    pltpu.sync_copy(acc.at[pl.ds(sid * _RPT, _RPT)],
                    out_hbm.at[cid, pl.ds(sid * _RPT, _RPT)])
    pltpu.sync_copy(cnt.at[pl.ds(sid * _RPT, _RPT)],
                    outc_hbm.at[cid, pl.ds(sid * _RPT, _RPT)])

  return body(xb, ei)


def _tc_self(x, W_r, b_l):
  blk = 1000
  grid = (_N // blk,)

  def body(x_ref, wr_ref, b_ref, o_ref):
    xb = x_ref[...]
    o_ref[...] = (jnp.dot(xb, wr_ref[...], preferred_element_type=f32)
                  + xb + b_ref[...])

  return pl.pallas_call(
      body,
      grid=grid,
      in_specs=[
          pl.BlockSpec((blk, _D), lambda g: (g, 0)),
          pl.BlockSpec((_D, _D), lambda g: (0, 0)),
          pl.BlockSpec((1, _D), lambda g: (0, 0)),
      ],
      out_specs=pl.BlockSpec((blk, _D), lambda g: (g, 0)),
      out_shape=jax.ShapeDtypeStruct((_N, _D), f32),
  )(x, W_r, b_l.reshape(1, _D))


def _tc_dense(h, out01, outc, W_l):
  blk = 1000
  grid = (_N // blk,)

  def body(a0_ref, a1_ref, c0_ref, c1_ref, h_ref, wl_ref, o_ref):
    agg = a0_ref[0].astype(f32) + a1_ref[0].astype(f32)
    cnt = c0_ref[0][:, 0:1] + c1_ref[0][:, 0:1]
    inv = 1.0 / jnp.maximum(cnt, 1.0)
    acc = jnp.dot(agg * inv, wl_ref[...], preferred_element_type=f32)
    o_ref[...] = acc + h_ref[...]

  return pl.pallas_call(
      body,
      grid=grid,
      in_specs=[
          pl.BlockSpec((1, blk, _D), lambda g: (0, g, 0)),
          pl.BlockSpec((1, blk, _D), lambda g: (1, g, 0)),
          pl.BlockSpec((1, blk, 16), lambda g: (0, g, 0)),
          pl.BlockSpec((1, blk, 16), lambda g: (1, g, 0)),
          pl.BlockSpec((blk, _D), lambda g: (g, 0)),
          pl.BlockSpec((_D, _D), lambda g: (0, 0)),
      ],
      out_specs=pl.BlockSpec((blk, _D), lambda g: (g, 0)),
      out_shape=jax.ShapeDtypeStruct((_N, _D), f32),
  )(out01, out01, outc, outc, h, W_l)


def kernel(x, edge_index, W_l, b_l, W_r):
  xb = x.astype(bf16)
  ei = edge_index.reshape(2, _NS, _NG, _CH)
  out01, outc = _sc_aggregate(xb, ei)
  h = _tc_self(x, W_r, b_l)
  return _tc_dense(h, out01, outc, W_l)

# --- scband reference (transcript-rebuilt; emitter-appended) ---
"""Pipeline reference for scband-res-gcnlayer-1133871366242 (READ-ONLY COPY).

The authoritative reference and input builder live on the scoring server;
editing this copy changes nothing except your own understanding.
"""

import jax, jax.numpy as jnp
import numpy as np

N = 10000
E = 160000
D = 256

def setup_inputs(seed: int = 0) -> dict:
    key = jax.random.key(seed)
    k1, k2, k3, k4, k5 = jax.random.split(key, 5)
    x = jax.random.normal(k1, (N, D), dtype=jnp.float32)
    edge_index = jax.random.randint(k2, (2, E), 0, N, dtype=jnp.int32)
    scale = 1.0 / np.sqrt(D)
    W_l = jax.random.normal(k3, (D, D), dtype=jnp.float32) * scale
    b_l = jnp.zeros((D,), dtype=jnp.float32)
    W_r = jax.random.normal(k4, (D, D), dtype=jnp.float32) * scale
    return {"x": x, "edge_index": edge_index, "W_l": W_l, "b_l": b_l, "W_r": W_r}

def reference(x, edge_index, W_l, b_l, W_r):
    # SAGEConv with mean aggregation: out = lin_l(mean_{j in N(i)} x_j) + lin_r(x_i)
    src = edge_index[0]
    dst = edge_index[1]
    msgs = jnp.take(x, src, axis=0)                       # gather [E, D]
    agg = jax.ops.segment_sum(msgs, dst, num_segments=N)  # scatter-add [N, D]
    cnt = jax.ops.segment_sum(jnp.ones((E,), dtype=jnp.float32), dst, num_segments=N)
    agg = agg / jnp.clip(cnt, 1.0, None)[:, None]         # mean aggregation
    out = agg @ W_l + b_l + x @ W_r                       # SAGEConv linear transforms
    return out + x                                        # residual connection

if __name__ == "__main__":
    import jax
    _d = setup_inputs()
    print(jax.jit(kernel)(*tuple(_d.values())))

</pallas_src>

<mosaic_0001>
#map = affine_map<(d0, d1) -> (0, 0)>
#map1 = affine_map<(d0, d1) -> (0, 0, 0, 0)>
#map2 = affine_map<(d0, d1) -> (0, 0, 0)>
module attributes {stable_mosaic.version = 14 : i64} {
  func.func @body(%arg0: i32, %arg1: i32, %arg2: memref<10000x256xbf16, #tpu.memory_space<hbm>>, %arg3: memref<2x16x125x80xi32, #tpu.memory_space<hbm>>, %arg4: memref<2x10240x256xbf16, #tpu.memory_space<hbm>>, %arg5: memref<2x10240x16xf32, #tpu.memory_space<hbm>>, %arg6: memref<4x80xi32, #tpu.memory_space<vmem>>, %arg7: memref<4x80xi32, #tpu.memory_space<vmem>>, %arg8: memref<3x80x256xbf16, #tpu.memory_space<vmem>>, %arg9: memref<80x16xf32, #tpu.memory_space<vmem>>, %arg10: memref<10240x256xbf16, #tpu.memory_space<vmem_shared>>, %arg11: memref<10240x16xf32, #tpu.memory_space<vmem_shared>>, %arg12: memref<4x!tpu.dma_semaphore, #tpu.memory_space<semaphore_mem>>, %arg13: memref<3x!tpu.dma_semaphore, #tpu.memory_space<semaphore_mem>>, %arg14: memref<3x!tpu.dma_semaphore, #tpu.memory_space<semaphore_mem>>) attributes {dimension_semantics = [#tpu.dimension_semantics<core_parallel>, #tpu.dimension_semantics<subcore_parallel>], iteration_bounds = array<i64: 2, 16>, scalar_prefetch = 0 : i64, scratch_operands = 9 : i64, tpu.core_type = #tpu.core_type<sc_vector_subcore>, window_params = [{transform_indices = #map}, {transform_indices = #map1}, {transform_indices = #map2}, {transform_indices = #map2}]} {
    %sub3A = arith.constant 63 : i32
    %sub3A_0 = arith.subi %sub3A, %arg0 : i32
    %add3A = arith.constant 0 : i32
    %add3A_1 = arith.addi %add3A, %arg0 : i32
    %dma_start3A = arith.constant 0 : i32
    %dma_start3A_2 = arith.constant 0 : i32
    %dma_start3A_3 = arith.constant 0 : i32
    %dma_start3A_4 = arith.constant 0 : i32
    %dma_start3A_5 = tpu.memref_slice %arg6[%dma_start3A_2, %dma_start3A_4] : memref<4x80xi32, #tpu.memory_space<vmem>> -> memref<1x80xi32, #tpu.memory_space<vmem>>
    %dma_start3A_6 = tpu.memref_squeeze %dma_start3A_5 : memref<1x80xi32, #tpu.memory_space<vmem>> -> memref<80xi32, #tpu.memory_space<vmem>>
    %dma_start3A_7 = arith.constant 0 : i32
    %dma_start3A_8 = tpu.memref_slice %arg3[%dma_start3A, %arg1, %add3A_1, %dma_start3A_7] : memref<2x16x125x80xi32, #tpu.memory_space<hbm>> -> memref<1x1x1x80xi32, #tpu.memory_space<hbm>>
    %dma_start3A_9 = tpu.memref_squeeze %dma_start3A_8 : memref<1x1x1x80xi32, #tpu.memory_space<hbm>> -> memref<80xi32, #tpu.memory_space<hbm>>
    %dma_start3A_10 = tpu.memref_slice %arg12[%dma_start3A_3] : memref<4x!tpu.dma_semaphore, #tpu.memory_space<semaphore_mem>> -> memref<1x!tpu.dma_semaphore, #tpu.memory_space<semaphore_mem>>
    %dma_start3A_11 = tpu.memref_squeeze %dma_start3A_10 : memref<1x!tpu.dma_semaphore, #tpu.memory_space<semaphore_mem>> -> memref<!tpu.dma_semaphore, #tpu.memory_space<semaphore_mem>>
    %dma_start3A_12 = arith.constant 0 : i32
    %dma_start3A_13 = tpu.memref_slice %arg6[%dma_start3A_2, %dma_start3A_12] : memref<4x80xi32, #tpu.memory_space<vmem>> -> memref<1x80xi32, #tpu.memory_space<vmem>>
    %dma_start3A_14 = tpu.memref_squeeze %dma_start3A_13 : memref<1x80xi32, #tpu.memory_space<vmem>> -> memref<80xi32, #tpu.memory_space<vmem>>
    %dma_start3A_15 = arith.constant 0 : i32
    %dma_start3A_16 = tpu.memref_slice %arg3[%dma_start3A, %arg1, %add3A_1, %dma_start3A_15] : memref<2x16x125x80xi32, #tpu.memory_space<hbm>> -> memref<1x1x1x80xi32, #tpu.memory_space<hbm>>
    %dma_start3A_17 = tpu.memref_squeeze %dma_start3A_16 : memref<1x1x1x80xi32, #tpu.memory_space<hbm>> -> memref<80xi32, #tpu.memory_space<hbm>>
    tpu.enqueue_dma source(%dma_start3A_17 : memref<80xi32, #tpu.memory_space<hbm>>) target(%dma_start3A_14 : memref<80xi32, #tpu.memory_space<vmem>>) target_semaphore(%dma_start3A_11 : memref<!tpu.dma_semaphore, #tpu.memory_space<semaphore_mem>>)
    %dma_start3A_18 = arith.constant 1 : i32
    %dma_start3A_19 = arith.constant 0 : i32
    %dma_start3A_20 = arith.constant 0 : i32
    %dma_start3A_21 = arith.constant 0 : i32
    %dma_start3A_22 = tpu.memref_slice %arg7[%dma_start3A_19, %dma_start3A_21] : memref<4x80xi32, #tpu.memory_space<vmem>> -> memref<1x80xi32, #tpu.memory_space<vmem>>
    %dma_start3A_23 = tpu.memref_squeeze %dma_start3A_22 : memref<1x80xi32, #tpu.memory_space<vmem>> -> memref<80xi32, #tpu.memory_space<vmem>>
    %dma_start3A_24 = arith.constant 0 : i32
    %dma_start3A_25 = tpu.memref_slice %arg3[%dma_start3A_18, %arg1, %add3A_1, %dma_start3A_24] : memref<2x16x125x80xi32, #tpu.memory_space<hbm>> -> memref<1x1x1x80xi32, #tpu.memory_space<hbm>>
    %dma_start3A_26 = tpu.memref_squeeze %dma_start3A_25 : memref<1x1x1x80xi32, #tpu.memory_space<hbm>> -> memref<80xi32, #tpu.memory_space<hbm>>
    %dma_start3A_27 = tpu.memref_slice %arg12[%dma_start3A_20] : memref<4x!tpu.dma_semaphore, #tpu.memory_space<semaphore_mem>> -> memref<1x!tpu.dma_semaphore, #tpu.memory_space<semaphore_mem>>
    %dma_start3A_28 = tpu.memref_squeeze %dma_start3A_27 : memref<1x!tpu.dma_semaphore, #tpu.memory_space<semaphore_mem>> -> memref<!tpu.dma_semaphore, #tpu.memory_space<semaphore_mem>>
    %dma_start3A_29 = arith.constant 0 : i32
    %dma_start3A_30 = tpu.memref_slice %arg7[%dma_start3A_19, %dma_start3A_29] : memref<4x80xi32, #tpu.memory_space<vmem>> -> memref<1x80xi32, #tpu.memory_space<vmem>>
    %dma_start3A_31 = tpu.memref_squeeze %dma_start3A_30 : memref<1x80xi32, #tpu.memory_space<vmem>> -> memref<80xi32, #tpu.memory_space<vmem>>
    %dma_start3A_32 = arith.constant 0 : i32
    %dma_start3A_33 = tpu.memref_slice %arg3[%dma_start3A_18, %arg1, %add3A_1, %dma_start3A_32] : memref<2x16x125x80xi32, #tpu.memory_space<hbm>> -> memref<1x1x1x80xi32, #tpu.memory_space<hbm>>
    %dma_start3A_34 = tpu.memref_squeeze %dma_start3A_33 : memref<1x1x1x80xi32, #tpu.memory_space<hbm>> -> memref<80xi32, #tpu.memory_space<hbm>>
    tpu.enqueue_dma source(%dma_start3A_34 : memref<80xi32, #tpu.memory_space<hbm>>) target(%dma_start3A_31 : memref<80xi32, #tpu.memory_space<vmem>>) target_semaphore(%dma_start3A_28 : memref<!tpu.dma_semaphore, #tpu.memory_space<semaphore_mem>>)
    %add3A_35 = arith.constant 2 : i32
    %add3A_36 = arith.addi %add3A_35, %arg0 : i32
    %dma_start3A_37 = arith.constant 0 : i32
    %dma_start3A_38 = arith.constant 1 : i32
    %dma_start3A_39 = arith.constant 1 : i32
    %dma_start3A_40 = arith.constant 0 : i32
    %dma_start3A_41 = tpu.memref_slice %arg6[%dma_start3A_38, %dma_start3A_40] : memref<4x80xi32, #tpu.memory_space<vmem>> -> memref<1x80xi32, #tpu.memory_space<vmem>>
    %dma_start3A_42 = tpu.memref_squeeze %dma_start3A_41 : memref<1x80xi32, #tpu.memory_space<vmem>> -> memref<80xi32, #tpu.memory_space<vmem>>
    %dma_start3A_43 = arith.constant 0 : i32
    %dma_start3A_44 = tpu.memref_slice %arg3[%dma_start3A_37, %arg1, %add3A_36, %dma_start3A_43] : memref<2x16x125x80xi32, #tpu.memory_space<hbm>> -> memref<1x1x1x80xi32, #tpu.memory_space<hbm>>
    %dma_start3A_45 = tpu.memref_squeeze %dma_start3A_44 : memref<1x1x1x80xi32, #tpu.memory_space<hbm>> -> memref<80xi32, #tpu.memory_space<hbm>>
    %dma_start3A_46 = tpu.memref_slice %arg12[%dma_start3A_39] : memref<4x!tpu.dma_semaphore, #tpu.memory_space<semaphore_mem>> -> memref<1x!tpu.dma_semaphore, #tpu.memory_space<semaphore_mem>>
    %dma_start3A_47 = tpu.memref_squeeze %dma_start3A_46 : memref<1x!tpu.dma_semaphore, #tpu.memory_space<semaphore_mem>> -> memref<!tpu.dma_semaphore, #tpu.memory_space<semaphore_mem>>
    %dma_start3A_48 = arith.constant 0 : i32
    %dma_start3A_49 = tpu.memref_slice %arg6[%dma_start3A_38, %dma_start3A_48] : memref<4x80xi32, #tpu.memory_space<vmem>> -> memref<1x80xi32, #tpu.memory_space<vmem>>
    %dma_start3A_50 = tpu.memref_squeeze %dma_start3A_49 : memref<1x80xi32, #tpu.memory_space<vmem>> -> memref<80xi32, #tpu.memory_space<vmem>>
    %dma_start3A_51 = arith.constant 0 : i32
    %dma_start3A_52 = tpu.memref_slice %arg3[%dma_start3A_37, %arg1, %add3A_36, %dma_start3A_51] : memref<2x16x125x80xi32, #tpu.memory_space<hbm>> -> memref<1x1x1x80xi32, #tpu.memory_space<hbm>>
    %dma_start3A_53 = tpu.memref_squeeze %dma_start3A_52 : memref<1x1x1x80xi32, #tpu.memory_space<hbm>> -> memref<80xi32, #tpu.memory_space<hbm>>
    tpu.enqueue_dma source(%dma_start3A_53 : memref<80xi32, #tpu.memory_space<hbm>>) target(%dma_start3A_50 : memref<80xi32, #tpu.memory_space<vmem>>) target_semaphore(%dma_start3A_47 : memref<!tpu.dma_semaphore, #tpu.memory_space<semaphore_mem>>)
    %dma_start3A_54 = arith.constant 1 : i32
    %dma_start3A_55 = arith.constant 1 : i32
    %dma_start3A_56 = arith.constant 1 : i32
    %dma_start3A_57 = arith.constant 0 : i32
    %dma_start3A_58 = tpu.memref_slice %arg7[%dma_start3A_55, %dma_start3A_57] : memref<4x80xi32, #tpu.memory_space<vmem>> -> memref<1x80xi32, #tpu.memory_space<vmem>>
    %dma_start3A_59 = tpu.memref_squeeze %dma_start3A_58 : memref<1x80xi32, #tpu.memory_space<vmem>> -> memref<80xi32, #tpu.memory_space<vmem>>
    %dma_start3A_60 = arith.constant 0 : i32
    %dma_start3A_61 = tpu.memref_slice %arg3[%dma_start3A_54, %arg1, %add3A_36, %dma_start3A_60] : memref<2x16x125x80xi32, #tpu.memory_space<hbm>> -> memref<1x1x1x80xi32, #tpu.memory_space<hbm>>
    %dma_start3A_62 = tpu.memref_squeeze %dma_start3A_61 : memref<1x1x1x80xi32, #tpu.memory_space<hbm>> -> memref<80xi32, #tpu.memory_space<hbm>>
    %dma_start3A_63 = tpu.memref_slice %arg12[%dma_start3A_56] : memref<4x!tpu.dma_semaphore, #tpu.memory_space<semaphore_mem>> -> memref<1x!tpu.dma_semaphore, #tpu.memory_space<semaphore_mem>>
    %dma_start3A_64 = tpu.memref_squeeze %dma_start3A_63 : memref<1x!tpu.dma_semaphore, #tpu.memory_space<semaphore_mem>> -> memref<!tpu.dma_semaphore, #tpu.memory_space<semaphore_mem>>
    %dma_start3A_65 = arith.constant 0 : i32
    %dma_start3A_66 = tpu.memref_slice %arg7[%dma_start3A_55, %dma_start3A_65] : memref<4x80xi32, #tpu.memory_space<vmem>> -> memref<1x80xi32, #tpu.memory_space<vmem>>
    %dma_start3A_67 = tpu.memref_squeeze %dma_start3A_66 : memref<1x80xi32, #tpu.memory_space<vmem>> -> memref<80xi32, #tpu.memory_space<vmem>>
    %dma_start3A_68 = arith.constant 0 : i32
    %dma_start3A_69 = tpu.memref_slice %arg3[%dma_start3A_54, %arg1, %add3A_36, %dma_start3A_68] : memref<2x16x125x80xi32, #tpu.memory_space<hbm>> -> memref<1x1x1x80xi32, #tpu.memory_space<hbm>>
    %dma_start3A_70 = tpu.memref_squeeze %dma_start3A_69 : memref<1x1x1x80xi32, #tpu.memory_space<hbm>> -> memref<80xi32, #tpu.memory_space<hbm>>
    tpu.enqueue_dma source(%dma_start3A_70 : memref<80xi32, #tpu.memory_space<hbm>>) target(%dma_start3A_67 : memref<80xi32, #tpu.memory_space<vmem>>) target_semaphore(%dma_start3A_64 : memref<!tpu.dma_semaphore, #tpu.memory_space<semaphore_mem>>)
    %broadcast_in_dim3A = arith.constant 0.000000e+00 : f32
    %broadcast_in_dim3A_71 = vector.broadcast %broadcast_in_dim3A : f32 to vector<16xf32>
    %broadcast_in_dim3A_72 = arith.constant 0.000000e+00 : bf16
    %broadcast_in_dim3A_73 = vector.broadcast %broadcast_in_dim3A_72 : bf16 to vector<32xbf16>
    %scan3A = arith.constant 0 : i32
    %scan3A_74 = arith.constant 0 : i32
    %scan3A_75 = arith.constant 0 : i32
    %scan3A_76 = arith.constant 640 : i32
    %scan3A_77 = arith.addi %scan3A_75, %scan3A_76 : i32
    %scan3A_78 = arith.constant 1 : i32
    scf.for %scan3A_371 = %scan3A_75 to %scan3A_77 step %scan3A_78  : i32 {
      %jit3A_372 = arith.constant 8 : i32
      %div3A = arith.divsi %scan3A_371, %jit3A_372 : i32
      %sign3A = arith.constant 0 : i32
      %sign3A_373 = arith.cmpi sgt, %scan3A_371, %sign3A : i32
      %sign3A_374 = arith.extui %sign3A_373 : i1 to i32
      %sign3A_375 = arith.constant 0 : i32
      %sign3A_376 = arith.cmpi slt, %scan3A_371, %sign3A_375 : i32
      %sign3A_377 = arith.extui %sign3A_376 : i1 to i32
      %sign3A_378 = arith.subi %sign3A_374, %sign3A_377 : i32
      %sign3A_379 = arith.constant 0 : i32
      %sign3A_380 = arith.cmpi sgt, %jit3A_372, %sign3A_379 : i32
      %sign3A_381 = arith.extui %sign3A_380 : i1 to i32
      %sign3A_382 = arith.constant 0 : i32
      %sign3A_383 = arith.cmpi slt, %jit3A_372, %sign3A_382 : i32
      %sign3A_384 = arith.extui %sign3A_383 : i1 to i32
      %sign3A_385 = arith.subi %sign3A_381, %sign3A_384 : i32
      %ne3A_386 = arith.cmpi ne, %sign3A_378, %sign3A_385 : i32
      %rem3A_387 = arith.remsi %scan3A_371, %jit3A_372 : i32
      %ne3A_388 = arith.constant 0 : i32
      %ne3A_389 = arith.cmpi ne, %rem3A_387, %ne3A_388 : i32
      %and3A_390 = arith.andi %ne3A_386, %ne3A_389 : i1
      %sub3A_391 = arith.constant 1 : i32
      %sub3A_392 = arith.subi %div3A, %sub3A_391 : i32
      %select_n3A_393 = arith.select %and3A_390, %sub3A_392, %div3A : i32
      %jit3A_394 = arith.constant 8 : i32
      %eq3A_395 = arith.constant 0 : i32
      %eq3A_396 = arith.cmpi eq, %jit3A_394, %eq3A_395 : i32
      %jit3A_397 = arith.constant 1 : i32
      %select_n3A_398 = arith.select %eq3A_396, %jit3A_397, %jit3A_394 : i32
      %rem3A_399 = arith.remsi %scan3A_371, %select_n3A_398 : i32
      %ne3A_400 = arith.constant 0 : i32
      %ne3A_401 = arith.cmpi ne, %rem3A_399, %ne3A_400 : i32
      %lt3A_402 = arith.constant 0 : i32
      %lt3A_403 = arith.cmpi slt, %rem3A_399, %lt3A_402 : i32
      %lt3A_404 = arith.constant 0 : i32
      %lt3A_405 = arith.cmpi slt, %select_n3A_398, %lt3A_404 : i32
      %ne3A_406 = arith.xori %lt3A_403, %lt3A_405 : i1
      %and3A_407 = arith.andi %ne3A_406, %ne3A_401 : i1
      %add3A_408 = arith.addi %rem3A_399, %select_n3A_398 : i32
      %select_n3A_409 = arith.select %and3A_407, %add3A_408, %rem3A_399 : i32
      %mul3A_410 = arith.constant 32 : i32
      %mul3A_411 = arith.muli %select_n3A_409, %mul3A_410 : i32
      %swap3A = arith.constant 0 : i32
      %swap3A_412 = arith.constant 0 : i32
      %swap3A_413 = tpu.memref_slice %arg8[%scan3A_74, %swap3A, %swap3A_412] : memref<3x80x256xbf16, #tpu.memory_space<vmem>> -> memref<1x80x256xbf16, #tpu.memory_space<vmem>>
      %swap3A_414 = tpu.memref_squeeze %swap3A_413 : memref<1x80x256xbf16, #tpu.memory_space<vmem>> -> memref<80x256xbf16, #tpu.memory_space<vmem>>
      %swap3A_415 = arith.index_cast %select_n3A_393 : i32 to index
      %swap3A_416 = arith.index_cast %mul3A_411 : i32 to index
      %swap3A_417 = tpu.vector_load %swap3A_414[%swap3A_415, %swap3A_416] {strides = array<i32>} : memref<80x256xbf16, #tpu.memory_space<vmem>>, vector<1x32xbf16>,
      %swap3A_418 = vector.shape_cast %swap3A_417 : vector<1x32xbf16> to vector<32xbf16>
      %swap3A_419 = vector.shape_cast %broadcast_in_dim3A_73 : vector<32xbf16> to vector<1x32xbf16>
      tpu.vector_store %swap3A_414[%swap3A_415, %swap3A_416], %swap3A_419 {strides = array<i32>} : memref<80x256xbf16, #tpu.memory_space<vmem>>, vector<1x32xbf16>,
    }
    %scan3A_79 = arith.constant 640 : i32
    %scan3A_80 = arith.constant 0 : i32
    %scan3A_81 = arith.constant 0 : i32
    %scan3A_82 = arith.constant 80 : i32
    %scan3A_83 = arith.addi %scan3A_81, %scan3A_82 : i32
    %scan3A_84 = arith.constant 1 : i32
    scf.for %scan3A_371 = %scan3A_81 to %scan3A_83 step %scan3A_84  : i32 {
      %swap3A = arith.index_cast %scan3A_371 : i32 to index
      %swap3A_372 = arith.constant 0 : index
      %swap3A_373 = tpu.vector_load %arg9[%swap3A, %swap3A_372] {strides = array<i32>} : memref<80x16xf32, #tpu.memory_space<vmem>>, vector<1x16xf32>,
      %swap3A_374 = vector.shape_cast %swap3A_373 : vector<1x16xf32> to vector<16xf32>
      %swap3A_375 = vector.shape_cast %broadcast_in_dim3A_71 : vector<16xf32> to vector<1x16xf32>
      tpu.vector_store %arg9[%swap3A, %swap3A_372], %swap3A_375 {strides = array<i32>} : memref<80x16xf32, #tpu.memory_space<vmem>>, vector<1x16xf32>,
    }
    %scan3A_85 = arith.constant 80 : i32
    %scan3A_86 = arith.constant 0 : i32
    %scan3A_87 = arith.constant 0 : i32
    %scan3A_88 = arith.constant 0 : i32
    %scan3A_89 = arith.constant 8 : i32
    %scan3A_90 = arith.addi %scan3A_88, %scan3A_89 : i32
    %scan3A_91 = arith.constant 1 : i32
    scf.for %scan3A_371 = %scan3A_88 to %scan3A_90 step %scan3A_91  : i32 {
      %mul3A_372 = arith.constant 640 : i32
      %mul3A_373 = arith.muli %arg1, %mul3A_372 : i32
      %mul3A_374 = arith.constant 80 : i32
      %mul3A_375 = arith.muli %scan3A_371, %mul3A_374 : i32
      %add3A_376 = arith.addi %mul3A_373, %mul3A_375 : i32
      "tpu.region"() ({
        %run_scoped3A = tpu.sem_alloc : memref<!tpu.dma_semaphore, #tpu.memory_space<semaphore_mem>>
        %dma_start3A_377 = arith.constant 0 : i32
        %dma_start3A_378 = arith.constant 0 : i32
        %dma_start3A_379 = tpu.memref_slice %arg8[%scan3A_87, %dma_start3A_377, %dma_start3A_378] : memref<3x80x256xbf16, #tpu.memory_space<vmem>> -> memref<1x80x256xbf16, #tpu.memory_space<vmem>>
        %dma_start3A_380 = tpu.memref_squeeze %dma_start3A_379 : memref<1x80x256xbf16, #tpu.memory_space<vmem>> -> memref<80x256xbf16, #tpu.memory_space<vmem>>
        %dma_start3A_381 = arith.constant 0 : i32
        %dma_start3A_382 = tpu.memref_slice %arg10[%add3A_376, %dma_start3A_381] : memref<10240x256xbf16, #tpu.memory_space<vmem_shared>> -> memref<80x256xbf16, #tpu.memory_space<vmem_shared>>
        %dma_start3A_383 = arith.constant 0 : i32
        %dma_start3A_384 = tpu.memref_slice %arg10[%add3A_376, %dma_start3A_383] : memref<10240x256xbf16, #tpu.memory_space<vmem_shared>> -> memref<80x256xbf16, #tpu.memory_space<vmem_shared>>
        %dma_start3A_385 = arith.constant 0 : i32
        %dma_start3A_386 = arith.constant 0 : i32
        %dma_start3A_387 = tpu.memref_slice %arg8[%scan3A_87, %dma_start3A_385, %dma_start3A_386] : memref<3x80x256xbf16, #tpu.memory_space<vmem>> -> memref<1x80x256xbf16, #tpu.memory_space<vmem>>
        %dma_start3A_388 = tpu.memref_squeeze %dma_start3A_387 : memref<1x80x256xbf16, #tpu.memory_space<vmem>> -> memref<80x256xbf16, #tpu.memory_space<vmem>>
        tpu.enqueue_dma source(%dma_start3A_388 : memref<80x256xbf16, #tpu.memory_space<vmem>>) target(%dma_start3A_384 : memref<80x256xbf16, #tpu.memory_space<vmem_shared>>) target_semaphore(%run_scoped3A : memref<!tpu.dma_semaphore, #tpu.memory_space<semaphore_mem>>)
        %dma_wait3A_389 = arith.constant 0 : i32
        %dma_wait3A_390 = arith.constant 0 : i32
        %dma_wait3A_391 = tpu.memref_slice %arg8[%scan3A_87, %dma_wait3A_389, %dma_wait3A_390] : memref<3x80x256xbf16, #tpu.memory_space<vmem>> -> memref<1x80x256xbf16, #tpu.memory_space<vmem>>
        %dma_wait3A_392 = tpu.memref_squeeze %dma_wait3A_391 : memref<1x80x256xbf16, #tpu.memory_space<vmem>> -> memref<80x256xbf16, #tpu.memory_space<vmem>>
        %dma_wait3A_393 = arith.constant 0 : i32
        %dma_wait3A_394 = tpu.memref_slice %arg10[%add3A_376, %dma_wait3A_393] : memref<10240x256xbf16, #tpu.memory_space<vmem_shared>> -> memref<80x256xbf16, #tpu.memory_space<vmem_shared>>
        %dma_wait3A_395 = arith.constant 0 : i32
        %dma_wait3A_396 = tpu.memref_slice %arg10[%add3A_376, %dma_wait3A_395] : memref<10240x256xbf16, #tpu.memory_space<vmem_shared>> -> memref<80x256xbf16, #tpu.memory_space<vmem_shared>>
        %dma_wait3A_397 = arith.constant 0 : i32
        %dma_wait3A_398 = arith.constant 0 : i32
        %dma_wait3A_399 = tpu.memref_slice %arg8[%scan3A_87, %dma_wait3A_397, %dma_wait3A_398] : memref<3x80x256xbf16, #tpu.memory_space<vmem>> -> memref<1x80x256xbf16, #tpu.memory_space<vmem>>
        %dma_wait3A_400 = tpu.memref_squeeze %dma_wait3A_399 : memref<1x80x256xbf16, #tpu.memory_space<vmem>> -> memref<80x256xbf16, #tpu.memory_space<vmem>>
        tpu.wait_dma2 semaphore(%run_scoped3A : memref<!tpu.dma_semaphore, #tpu.memory_space<semaphore_mem>>) src(%dma_wait3A_400 : memref<80x256xbf16, #tpu.memory_space<vmem>>) dst(%dma_wait3A_396 : memref<80x256xbf16, #tpu.memory_space<vmem_shared>>)
        tpu.yield
      }) : () -> ()
    }
    %scan3A_92 = arith.constant 8 : i32
    %scan3A_93 = arith.constant 0 : i32
    %scan3A_94 = arith.constant 0 : i32
    %scan3A_95 = arith.constant 8 : i32
    %scan3A_96 = arith.addi %scan3A_94, %scan3A_95 : i32
    %scan3A_97 = arith.constant 1 : i32
    scf.for %scan3A_371 = %scan3A_94 to %scan3A_96 step %scan3A_97  : i32 {
      %mul3A_372 = arith.constant 640 : i32
      %mul3A_373 = arith.muli %arg1, %mul3A_372 : i32
      %mul3A_374 = arith.constant 80 : i32
      %mul3A_375 = arith.muli %scan3A_371, %mul3A_374 : i32
      %add3A_376 = arith.addi %mul3A_373, %mul3A_375 : i32
      "tpu.region"() ({
        %run_scoped3A = tpu.sem_alloc : memref<!tpu.dma_semaphore, #tpu.memory_space<semaphore_mem>>
        %dma_start3A_377 = arith.constant 0 : i32
        %dma_start3A_378 = tpu.memref_slice %arg11[%add3A_376, %dma_start3A_377] : memref<10240x16xf32, #tpu.memory_space<vmem_shared>> -> memref<80x16xf32, #tpu.memory_space<vmem_shared>>
        %dma_start3A_379 = arith.constant 0 : i32
        %dma_start3A_380 = tpu.memref_slice %arg11[%add3A_376, %dma_start3A_379] : memref<10240x16xf32, #tpu.memory_space<vmem_shared>> -> memref<80x16xf32, #tpu.memory_space<vmem_shared>>
        tpu.enqueue_dma source(%arg9 : memref<80x16xf32, #tpu.memory_space<vmem>>) target(%dma_start3A_380 : memref<80x16xf32, #tpu.memory_space<vmem_shared>>) target_semaphore(%run_scoped3A : memref<!tpu.dma_semaphore, #tpu.memory_space<semaphore_mem>>)
        %dma_wait3A_381 = arith.constant 0 : i32
        %dma_wait3A_382 = tpu.memref_slice %arg11[%add3A_376, %dma_wait3A_381] : memref<10240x16xf32, #tpu.memory_space<vmem_shared>> -> memref<80x16xf32, #tpu.memory_space<vmem_shared>>
        %dma_wait3A_383 = arith.constant 0 : i32
        %dma_wait3A_384 = tpu.memref_slice %arg11[%add3A_376, %dma_wait3A_383] : memref<10240x16xf32, #tpu.memory_space<vmem_shared>> -> memref<80x16xf32, #tpu.memory_space<vmem_shared>>
        tpu.wait_dma2 semaphore(%run_scoped3A : memref<!tpu.dma_semaphore, #tpu.memory_space<semaphore_mem>>) src(%arg9 : memref<80x16xf32, #tpu.memory_space<vmem>>) dst(%dma_wait3A_384 : memref<80x16xf32, #tpu.memory_space<vmem_shared>>)
        tpu.yield
      }) : () -> ()
    }
    %scan3A_98 = arith.constant 8 : i32
    %broadcast_in_dim3A_99 = arith.constant 1.000000e+00 : f32
    %broadcast_in_dim3A_100 = vector.broadcast %broadcast_in_dim3A_99 : f32 to vector<16xf32>
    %scan3A_101 = arith.constant 0 : i32
    %scan3A_102 = arith.constant 0 : i32
    %scan3A_103 = arith.constant 80 : i32
    %scan3A_104 = arith.addi %scan3A_102, %scan3A_103 : i32
    %scan3A_105 = arith.constant 1 : i32
    scf.for %scan3A_371 = %scan3A_102 to %scan3A_104 step %scan3A_105  : i32 {
      %swap3A = arith.index_cast %scan3A_371 : i32 to index
      %swap3A_372 = arith.constant 0 : index
      %swap3A_373 = tpu.vector_load %arg9[%swap3A, %swap3A_372] {strides = array<i32>} : memref<80x16xf32, #tpu.memory_space<vmem>>, vector<1x16xf32>,
      %swap3A_374 = vector.shape_cast %swap3A_373 : vector<1x16xf32> to vector<16xf32>
      %swap3A_375 = vector.shape_cast %broadcast_in_dim3A_100 : vector<16xf32> to vector<1x16xf32>
      tpu.vector_store %arg9[%swap3A, %swap3A_372], %swap3A_375 {strides = array<i32>} : memref<80x16xf32, #tpu.memory_space<vmem>>, vector<1x16xf32>,
    }
    %scan3A_106 = arith.constant 80 : i32
    %barrier3A = arith.constant 0 : index
    tpu.barrier barrier_id(%barrier3A)
    %add3A_107 = arith.constant 0 : i32
    %add3A_108 = arith.addi %add3A_107, %arg0 : i32
    %dma_wait3A = arith.constant 0 : i32
    %dma_wait3A_109 = arith.constant 0 : i32
    %dma_wait3A_110 = arith.constant 0 : i32
    %dma_wait3A_111 = arith.constant 0 : i32
    %dma_wait3A_112 = tpu.memref_slice %arg6[%dma_wait3A_109, %dma_wait3A_111] : memref<4x80xi32, #tpu.memory_space<vmem>> -> memref<1x80xi32, #tpu.memory_space<vmem>>
    %dma_wait3A_113 = tpu.memref_squeeze %dma_wait3A_112 : memref<1x80xi32, #tpu.memory_space<vmem>> -> memref<80xi32, #tpu.memory_space<vmem>>
    %dma_wait3A_114 = arith.constant 0 : i32
    %dma_wait3A_115 = tpu.memref_slice %arg3[%dma_wait3A, %arg1, %add3A_108, %dma_wait3A_114] : memref<2x16x125x80xi32, #tpu.memory_space<hbm>> -> memref<1x1x1x80xi32, #tpu.memory_space<hbm>>
    %dma_wait3A_116 = tpu.memref_squeeze %dma_wait3A_115 : memref<1x1x1x80xi32, #tpu.memory_space<hbm>> -> memref<80xi32, #tpu.memory_space<hbm>>
    %dma_wait3A_117 = tpu.memref_slice %arg12[%dma_wait3A_110] : memref<4x!tpu.dma_semaphore, #tpu.memory_space<semaphore_mem>> -> memref<1x!tpu.dma_semaphore, #tpu.memory_space<semaphore_mem>>
    %dma_wait3A_118 = tpu.memref_squeeze %dma_wait3A_117 : memref<1x!tpu.dma_semaphore, #tpu.memory_space<semaphore_mem>> -> memref<!tpu.dma_semaphore, #tpu.memory_space<semaphore_mem>>
    %dma_wait3A_119 = arith.constant 0 : i32
    %dma_wait3A_120 = tpu.memref_slice %arg6[%dma_wait3A_109, %dma_wait3A_119] : memref<4x80xi32, #tpu.memory_space<vmem>> -> memref<1x80xi32, #tpu.memory_space<vmem>>
    %dma_wait3A_121 = tpu.memref_squeeze %dma_wait3A_120 : memref<1x80xi32, #tpu.memory_space<vmem>> -> memref<80xi32, #tpu.memory_space<vmem>>
    %dma_wait3A_122 = arith.constant 0 : i32
    %dma_wait3A_123 = tpu.memref_slice %arg3[%dma_wait3A, %arg1, %add3A_108, %dma_wait3A_122] : memref<2x16x125x80xi32, #tpu.memory_space<hbm>> -> memref<1x1x1x80xi32, #tpu.memory_space<hbm>>
    %dma_wait3A_124 = tpu.memref_squeeze %dma_wait3A_123 : memref<1x1x1x80xi32, #tpu.memory_space<hbm>> -> memref<80xi32, #tpu.memory_space<hbm>>
    tpu.wait_dma2 semaphore(%dma_wait3A_118 : memref<!tpu.dma_semaphore, #tpu.memory_space<semaphore_mem>>) src(%dma_wait3A_124 : memref<80xi32, #tpu.memory_space<hbm>>) dst(%dma_wait3A_121 : memref<80xi32, #tpu.memory_space<vmem>>)
    %dma_wait3A_125 = arith.constant 1 : i32
    %dma_wait3A_126 = arith.constant 0 : i32
    %dma_wait3A_127 = arith.constant 0 : i32
    %dma_wait3A_128 = arith.constant 0 : i32
    %dma_wait3A_129 = tpu.memref_slice %arg7[%dma_wait3A_126, %dma_wait3A_128] : memref<4x80xi32, #tpu.memory_space<vmem>> -> memref<1x80xi32, #tpu.memory_space<vmem>>
    %dma_wait3A_130 = tpu.memref_squeeze %dma_wait3A_129 : memref<1x80xi32, #tpu.memory_space<vmem>> -> memref<80xi32, #tpu.memory_space<vmem>>
    %dma_wait3A_131 = arith.constant 0 : i32
    %dma_wait3A_132 = tpu.memref_slice %arg3[%dma_wait3A_125, %arg1, %add3A_108, %dma_wait3A_131] : memref<2x16x125x80xi32, #tpu.memory_space<hbm>> -> memref<1x1x1x80xi32, #tpu.memory_space<hbm>>
    %dma_wait3A_133 = tpu.memref_squeeze %dma_wait3A_132 : memref<1x1x1x80xi32, #tpu.memory_space<hbm>> -> memref<80xi32, #tpu.memory_space<hbm>>
    %dma_wait3A_134 = tpu.memref_slice %arg12[%dma_wait3A_127] : memref<4x!tpu.dma_semaphore, #tpu.memory_space<semaphore_mem>> -> memref<1x!tpu.dma_semaphore, #tpu.memory_space<semaphore_mem>>
    %dma_wait3A_135 = tpu.memref_squeeze %dma_wait3A_134 : memref<1x!tpu.dma_semaphore, #tpu.memory_space<semaphore_mem>> -> memref<!tpu.dma_semaphore, #tpu.memory_space<semaphore_mem>>
    %dma_wait3A_136 = arith.constant 0 : i32
    %dma_wait3A_137 = tpu.memref_slice %arg7[%dma_wait3A_126, %dma_wait3A_136] : memref<4x80xi32, #tpu.memory_space<vmem>> -> memref<1x80xi32, #tpu.memory_space<vmem>>
    %dma_wait3A_138 = tpu.memref_squeeze %dma_wait3A_137 : memref<1x80xi32, #tpu.memory_space<vmem>> -> memref<80xi32, #tpu.memory_space<vmem>>
    %dma_wait3A_139 = arith.constant 0 : i32
    %dma_wait3A_140 = tpu.memref_slice %arg3[%dma_wait3A_125, %arg1, %add3A_108, %dma_wait3A_139] : memref<2x16x125x80xi32, #tpu.memory_space<hbm>> -> memref<1x1x1x80xi32, #tpu.memory_space<hbm>>
    %dma_wait3A_141 = tpu.memref_squeeze %dma_wait3A_140 : memref<1x1x1x80xi32, #tpu.memory_space<hbm>> -> memref<80xi32, #tpu.memory_space<hbm>>
    tpu.wait_dma2 semaphore(%dma_wait3A_135 : memref<!tpu.dma_semaphore, #tpu.memory_space<semaphore_mem>>) src(%dma_wait3A_141 : memref<80xi32, #tpu.memory_space<hbm>>) dst(%dma_wait3A_138 : memref<80xi32, #tpu.memory_space<vmem>>)
    %dma_start3A_142 = arith.constant 0 : i32
    %dma_start3A_143 = arith.constant 0 : i32
    %dma_start3A_144 = arith.constant 0 : i32
    %dma_start3A_145 = arith.constant 0 : i32
    %dma_start3A_146 = arith.constant 0 : i32
    %dma_start3A_147 = tpu.memref_slice %arg8[%dma_start3A_143, %dma_start3A_145, %dma_start3A_146] : memref<3x80x256xbf16, #tpu.memory_space<vmem>> -> memref<1x80x256xbf16, #tpu.memory_space<vmem>>
    %dma_start3A_148 = tpu.memref_squeeze %dma_start3A_147 : memref<1x80x256xbf16, #tpu.memory_space<vmem>> -> memref<80x256xbf16, #tpu.memory_space<vmem>>
    %dma_start3A_149 = arith.constant 0 : i32
    %dma_start3A_150 = tpu.memref_slice %arg6[%dma_start3A_142, %dma_start3A_149] : memref<4x80xi32, #tpu.memory_space<vmem>> -> memref<1x80xi32, #tpu.memory_space<vmem>>
    %dma_start3A_151 = tpu.memref_squeeze %dma_start3A_150 : memref<1x80xi32, #tpu.memory_space<vmem>> -> memref<80xi32, #tpu.memory_space<vmem>>
    %dma_start3A_152 = arith.constant 0 : i32
    %dma_start3A_153 = arith.constant 0 : i32
    %dma_start3A_154 = tpu.memref_slice %arg2[%dma_start3A_152, %dma_start3A_153] : memref<10000x256xbf16, #tpu.memory_space<hbm>> -> memref<10000x256xbf16, #tpu.memory_space<hbm>>
    %dma_start3A_155 = tpu.memref_slice %arg13[%dma_start3A_144] : memref<3x!tpu.dma_semaphore, #tpu.memory_space<semaphore_mem>> -> memref<1x!tpu.dma_semaphore, #tpu.memory_space<semaphore_mem>>
    %dma_start3A_156 = tpu.memref_squeeze %dma_start3A_155 : memref<1x!tpu.dma_semaphore, #tpu.memory_space<semaphore_mem>> -> memref<!tpu.dma_semaphore, #tpu.memory_space<semaphore_mem>>
    tpu.enqueue_indirect_dma source(%dma_start3A_154 : memref<10000x256xbf16, #tpu.memory_space<hbm>>) target(%dma_start3A_148 : memref<80x256xbf16, #tpu.memory_space<vmem>>) offsets(%dma_start3A_151 : memref<80xi32, #tpu.memory_space<vmem>>) semaphore(%dma_start3A_156 : memref<!tpu.dma_semaphore, #tpu.memory_space<semaphore_mem>>)
    %while3A = arith.constant 0 : i32
    %while3A_157 = arith.constant 0 : i32
    %while3A_158 = arith.subi %sub3A_0, %while3A_157 : i32
    %while3A_159 = arith.addi %while3A_157, %while3A_158 : i32
    %while3A_160 = arith.constant 1 : i32
    %while3A_161 = arith.divsi %while3A_158, %while3A_160 : i32
    %while3A_162 = arith.muli %while3A_161, %while3A_160 : i32
    %while3A_163 = arith.addi %while3A_157, %while3A_162 : i32
    %while3A_164 = arith.constant 1 : i32
    scf.for %while3A_371 = %while3A_157 to %while3A_163 step %while3A_164  : i32 {
      %jit3A_372 = arith.constant 4 : i32
      %eq3A_373 = arith.constant 0 : i32
      %eq3A_374 = arith.cmpi eq, %jit3A_372, %eq3A_373 : i32
      %jit3A_375 = arith.constant 1 : i32
      %select_n3A_376 = arith.select %eq3A_374, %jit3A_375, %jit3A_372 : i32
      %rem3A_377 = arith.remsi %while3A_371, %select_n3A_376 : i32
      %ne3A_378 = arith.constant 0 : i32
      %ne3A_379 = arith.cmpi ne, %rem3A_377, %ne3A_378 : i32
      %lt3A_380 = arith.constant 0 : i32
      %lt3A_381 = arith.cmpi slt, %rem3A_377, %lt3A_380 : i32
      %lt3A_382 = arith.constant 0 : i32
      %lt3A_383 = arith.cmpi slt, %select_n3A_376, %lt3A_382 : i32
      %ne3A_384 = arith.xori %lt3A_381, %lt3A_383 : i1
      %and3A_385 = arith.andi %ne3A_384, %ne3A_379 : i1
      %add3A_386 = arith.addi %rem3A_377, %select_n3A_376 : i32
      %select_n3A_387 = arith.select %and3A_385, %add3A_386, %rem3A_377 : i32
      %jit3A_388 = arith.constant 3 : i32
      %eq3A_389 = arith.constant 0 : i32
      %eq3A_390 = arith.cmpi eq, %jit3A_388, %eq3A_389 : i32
      %jit3A_391 = arith.constant 1 : i32
      %select_n3A_392 = arith.select %eq3A_390, %jit3A_391, %jit3A_388 : i32
      %rem3A_393 = arith.remsi %while3A_371, %select_n3A_392 : i32
      %ne3A_394 = arith.constant 0 : i32
      %ne3A_395 = arith.cmpi ne, %rem3A_393, %ne3A_394 : i32
      %lt3A_396 = arith.constant 0 : i32
      %lt3A_397 = arith.cmpi slt, %rem3A_393, %lt3A_396 : i32
      %lt3A_398 = arith.constant 0 : i32
      %lt3A_399 = arith.cmpi slt, %select_n3A_392, %lt3A_398 : i32
      %ne3A_400 = arith.xori %lt3A_397, %lt3A_399 : i1
      %and3A_401 = arith.andi %ne3A_400, %ne3A_395 : i1
      %add3A_402 = arith.addi %rem3A_393, %select_n3A_392 : i32
      %select_n3A_403 = arith.select %and3A_401, %add3A_402, %rem3A_393 : i32
      %jit3A_404 = arith.constant 3 : i32
      %eq3A_405 = arith.constant 0 : i32
      %eq3A_406 = arith.cmpi eq, %jit3A_404, %eq3A_405 : i32
      %jit3A_407 = arith.constant 1 : i32
      %select_n3A_408 = arith.select %eq3A_406, %jit3A_407, %jit3A_404 : i32
      %rem3A_409 = arith.remsi %while3A_371, %select_n3A_408 : i32
      %ne3A_410 = arith.constant 0 : i32
      %ne3A_411 = arith.cmpi ne, %rem3A_409, %ne3A_410 : i32
      %lt3A_412 = arith.constant 0 : i32
      %lt3A_413 = arith.cmpi slt, %rem3A_409, %lt3A_412 : i32
      %lt3A_414 = arith.constant 0 : i32
      %lt3A_415 = arith.cmpi slt, %select_n3A_408, %lt3A_414 : i32
      %ne3A_416 = arith.xori %lt3A_413, %lt3A_415 : i1
      %and3A_417 = arith.andi %ne3A_416, %ne3A_411 : i1
      %add3A_418 = arith.addi %rem3A_409, %select_n3A_408 : i32
      %select_n3A_419 = arith.select %and3A_417, %add3A_418, %rem3A_409 : i32
      %dma_wait3A_420 = arith.constant 0 : i32
      %dma_wait3A_421 = arith.constant 0 : i32
      %dma_wait3A_422 = tpu.memref_slice %arg8[%select_n3A_403, %dma_wait3A_420, %dma_wait3A_421] : memref<3x80x256xbf16, #tpu.memory_space<vmem>> -> memref<1x80x256xbf16, #tpu.memory_space<vmem>>
      %dma_wait3A_423 = tpu.memref_squeeze %dma_wait3A_422 : memref<1x80x256xbf16, #tpu.memory_space<vmem>> -> memref<80x256xbf16, #tpu.memory_space<vmem>>
      %dma_wait3A_424 = arith.constant 0 : i32
      %dma_wait3A_425 = tpu.memref_slice %arg6[%select_n3A_387, %dma_wait3A_424] : memref<4x80xi32, #tpu.memory_space<vmem>> -> memref<1x80xi32, #tpu.memory_space<vmem>>
      %dma_wait3A_426 = tpu.memref_squeeze %dma_wait3A_425 : memref<1x80xi32, #tpu.memory_space<vmem>> -> memref<80xi32, #tpu.memory_space<vmem>>
      %dma_wait3A_427 = arith.constant 0 : i32
      %dma_wait3A_428 = arith.constant 0 : i32
      %dma_wait3A_429 = tpu.memref_slice %arg2[%dma_wait3A_427, %dma_wait3A_428] : memref<10000x256xbf16, #tpu.memory_space<hbm>> -> memref<10000x256xbf16, #tpu.memory_space<hbm>>
      %dma_wait3A_430 = tpu.memref_slice %arg13[%select_n3A_419] : memref<3x!tpu.dma_semaphore, #tpu.memory_space<semaphore_mem>> -> memref<1x!tpu.dma_semaphore, #tpu.memory_space<semaphore_mem>>
      %dma_wait3A_431 = tpu.memref_squeeze %dma_wait3A_430 : memref<1x!tpu.dma_semaphore, #tpu.memory_space<semaphore_mem>> -> memref<!tpu.dma_semaphore, #tpu.memory_space<semaphore_mem>>
      tpu.wait_indirect_dma semaphore(%dma_wait3A_431 : memref<!tpu.dma_semaphore, #tpu.memory_space<semaphore_mem>>) src(%dma_wait3A_429 : memref<10000x256xbf16, #tpu.memory_space<hbm>>) dst(%dma_wait3A_423 : memref<80x256xbf16, #tpu.memory_space<vmem>>)
      %ge3A = arith.constant 2 : i32
      %ge3A_432 = arith.cmpi sge, %while3A_371, %ge3A : i32
      %convert_element_type3A = arith.extui %ge3A_432 : i1 to i32
      %cond3A = arith.constant 0 : i32
      %cond3A_433 = arith.cmpi ne, %convert_element_type3A, %cond3A : i32
      scf.if %cond3A_433 {
        %sub3A_546 = arith.constant 2 : i32
        %sub3A_547 = arith.subi %while3A_371, %sub3A_546 : i32
        %jit3A_548 = arith.constant 3 : i32
        %eq3A_549 = arith.constant 0 : i32
        %eq3A_550 = arith.cmpi eq, %jit3A_548, %eq3A_549 : i32
        %jit3A_551 = arith.constant 1 : i32
        %select_n3A_552 = arith.select %eq3A_550, %jit3A_551, %jit3A_548 : i32
        %rem3A_553 = arith.remsi %sub3A_547, %select_n3A_552 : i32
        %ne3A_554 = arith.constant 0 : i32
        %ne3A_555 = arith.cmpi ne, %rem3A_553, %ne3A_554 : i32
        %lt3A_556 = arith.constant 0 : i32
        %lt3A_557 = arith.cmpi slt, %rem3A_553, %lt3A_556 : i32
        %lt3A_558 = arith.constant 0 : i32
        %lt3A_559 = arith.cmpi slt, %select_n3A_552, %lt3A_558 : i32
        %ne3A_560 = arith.xori %lt3A_557, %lt3A_559 : i1
        %and3A_561 = arith.andi %ne3A_560, %ne3A_555 : i1
        %add3A_562 = arith.addi %rem3A_553, %select_n3A_552 : i32
        %select_n3A_563 = arith.select %and3A_561, %add3A_562, %rem3A_553 : i32
        %jit3A_564 = arith.constant 4 : i32
        %eq3A_565 = arith.constant 0 : i32
        %eq3A_566 = arith.cmpi eq, %jit3A_564, %eq3A_565 : i32
        %jit3A_567 = arith.constant 1 : i32
        %select_n3A_568 = arith.select %eq3A_566, %jit3A_567, %jit3A_564 : i32
        %rem3A_569 = arith.remsi %sub3A_547, %select_n3A_568 : i32
        %ne3A_570 = arith.constant 0 : i32
        %ne3A_571 = arith.cmpi ne, %rem3A_569, %ne3A_570 : i32
        %lt3A_572 = arith.constant 0 : i32
        %lt3A_573 = arith.cmpi slt, %rem3A_569, %lt3A_572 : i32
        %lt3A_574 = arith.constant 0 : i32
        %lt3A_575 = arith.cmpi slt, %select_n3A_568, %lt3A_574 : i32
        %ne3A_576 = arith.xori %lt3A_573, %lt3A_575 : i1
        %and3A_577 = arith.andi %ne3A_576, %ne3A_571 : i1
        %add3A_578 = arith.addi %rem3A_569, %select_n3A_568 : i32
        %select_n3A_579 = arith.select %and3A_577, %add3A_578, %rem3A_569 : i32
        %jit3A_580 = arith.constant 3 : i32
        %eq3A_581 = arith.constant 0 : i32
        %eq3A_582 = arith.cmpi eq, %jit3A_580, %eq3A_581 : i32
        %jit3A_583 = arith.constant 1 : i32
        %select_n3A_584 = arith.select %eq3A_582, %jit3A_583, %jit3A_580 : i32
        %rem3A_585 = arith.remsi %sub3A_547, %select_n3A_584 : i32
        %ne3A_586 = arith.constant 0 : i32
        %ne3A_587 = arith.cmpi ne, %rem3A_585, %ne3A_586 : i32
        %lt3A_588 = arith.constant 0 : i32
        %lt3A_589 = arith.cmpi slt, %rem3A_585, %lt3A_588 : i32
        %lt3A_590 = arith.constant 0 : i32
        %lt3A_591 = arith.cmpi slt, %select_n3A_584, %lt3A_590 : i32
        %ne3A_592 = arith.xori %lt3A_589, %lt3A_591 : i1
        %and3A_593 = arith.andi %ne3A_592, %ne3A_587 : i1
        %add3A_594 = arith.addi %rem3A_585, %select_n3A_584 : i32
        %select_n3A_595 = arith.select %and3A_593, %add3A_594, %rem3A_585 : i32
        %dma_wait3A_596 = arith.constant 0 : i32
        %dma_wait3A_597 = arith.constant 0 : i32
        %dma_wait3A_598 = tpu.memref_slice %arg8[%select_n3A_563, %dma_wait3A_596, %dma_wait3A_597] : memref<3x80x256xbf16, #tpu.memory_space<vmem>> -> memref<1x80x256xbf16, #tpu.memory_space<vmem>>
        %dma_wait3A_599 = tpu.memref_squeeze %dma_wait3A_598 : memref<1x80x256xbf16, #tpu.memory_space<vmem>> -> memref<80x256xbf16, #tpu.memory_space<vmem>>
        %dma_wait3A_600 = arith.constant 0 : i32
        %dma_wait3A_601 = tpu.memref_slice %arg7[%select_n3A_579, %dma_wait3A_600] : memref<4x80xi32, #tpu.memory_space<vmem>> -> memref<1x80xi32, #tpu.memory_space<vmem>>
        %dma_wait3A_602 = tpu.memref_squeeze %dma_wait3A_601 : memref<1x80xi32, #tpu.memory_space<vmem>> -> memref<80xi32, #tpu.memory_space<vmem>>
        %dma_wait3A_603 = arith.constant 0 : i32
        %dma_wait3A_604 = arith.constant 0 : i32
        %dma_wait3A_605 = tpu.memref_slice %arg10[%dma_wait3A_603, %dma_wait3A_604] : memref<10240x256xbf16, #tpu.memory_space<vmem_shared>> -> memref<10240x256xbf16, #tpu.memory_space<vmem_shared>>
        %dma_wait3A_606 = tpu.memref_slice %arg14[%select_n3A_595] : memref<3x!tpu.dma_semaphore, #tpu.memory_space<semaphore_mem>> -> memref<1x!tpu.dma_semaphore, #tpu.memory_space<semaphore_mem>>
        %dma_wait3A_607 = tpu.memref_squeeze %dma_wait3A_606 : memref<1x!tpu.dma_semaphore, #tpu.memory_space<semaphore_mem>> -> memref<!tpu.dma_semaphore, #tpu.memory_space<semaphore_mem>>
        tpu.wait_indirect_dma semaphore(%dma_wait3A_607 : memref<!tpu.dma_semaphore, #tpu.memory_space<semaphore_mem>>) src(%dma_wait3A_599 : memref<80x256xbf16, #tpu.memory_space<vmem>>) dst(%dma_wait3A_605 : memref<10240x256xbf16, #tpu.memory_space<vmem_shared>>)
        %jit3A_608 = arith.constant 4 : i32
        %eq3A_609 = arith.constant 0 : i32
        %eq3A_610 = arith.cmpi eq, %jit3A_608, %eq3A_609 : i32
        %jit3A_611 = arith.constant 1 : i32
        %select_n3A_612 = arith.select %eq3A_610, %jit3A_611, %jit3A_608 : i32
        %rem3A_613 = arith.remsi %sub3A_547, %select_n3A_612 : i32
        %ne3A_614 = arith.constant 0 : i32
        %ne3A_615 = arith.cmpi ne, %rem3A_613, %ne3A_614 : i32
        %lt3A_616 = arith.constant 0 : i32
        %lt3A_617 = arith.cmpi slt, %rem3A_613, %lt3A_616 : i32
        %lt3A_618 = arith.constant 0 : i32
        %lt3A_619 = arith.cmpi slt, %select_n3A_612, %lt3A_618 : i32
        %ne3A_620 = arith.xori %lt3A_617, %lt3A_619 : i1
        %and3A_621 = arith.andi %ne3A_620, %ne3A_615 : i1
        %add3A_622 = arith.addi %rem3A_613, %select_n3A_612 : i32
        %select_n3A_623 = arith.select %and3A_621, %add3A_622, %rem3A_613 : i32
        %jit3A_624 = arith.constant 3 : i32
        %eq3A_625 = arith.constant 0 : i32
        %eq3A_626 = arith.cmpi eq, %jit3A_624, %eq3A_625 : i32
        %jit3A_627 = arith.constant 1 : i32
        %select_n3A_628 = arith.select %eq3A_626, %jit3A_627, %jit3A_624 : i32
        %rem3A_629 = arith.remsi %sub3A_547, %select_n3A_628 : i32
        %ne3A_630 = arith.constant 0 : i32
        %ne3A_631 = arith.cmpi ne, %rem3A_629, %ne3A_630 : i32
        %lt3A_632 = arith.constant 0 : i32
        %lt3A_633 = arith.cmpi slt, %rem3A_629, %lt3A_632 : i32
        %lt3A_634 = arith.constant 0 : i32
        %lt3A_635 = arith.cmpi slt, %select_n3A_628, %lt3A_634 : i32
        %ne3A_636 = arith.xori %lt3A_633, %lt3A_635 : i1
        %and3A_637 = arith.andi %ne3A_636, %ne3A_631 : i1
        %add3A_638 = arith.addi %rem3A_629, %select_n3A_628 : i32
        %select_n3A_639 = arith.select %and3A_637, %add3A_638, %rem3A_629 : i32
        %dma_wait3A_640 = arith.constant 0 : i32
        %dma_wait3A_641 = tpu.memref_slice %arg7[%select_n3A_623, %dma_wait3A_640] : memref<4x80xi32, #tpu.memory_space<vmem>> -> memref<1x80xi32, #tpu.memory_space<vmem>>
        %dma_wait3A_642 = tpu.memref_squeeze %dma_wait3A_641 : memref<1x80xi32, #tpu.memory_space<vmem>> -> memref<80xi32, #tpu.memory_space<vmem>>
        %dma_wait3A_643 = arith.constant 0 : i32
        %dma_wait3A_644 = arith.constant 0 : i32
        %dma_wait3A_645 = tpu.memref_slice %arg11[%dma_wait3A_643, %dma_wait3A_644] : memref<10240x16xf32, #tpu.memory_space<vmem_shared>> -> memref<10240x16xf32, #tpu.memory_space<vmem_shared>>
        %dma_wait3A_646 = tpu.memref_slice %arg14[%select_n3A_639] : memref<3x!tpu.dma_semaphore, #tpu.memory_space<semaphore_mem>> -> memref<1x!tpu.dma_semaphore, #tpu.memory_space<semaphore_mem>>
        %dma_wait3A_647 = tpu.memref_squeeze %dma_wait3A_646 : memref<1x!tpu.dma_semaphore, #tpu.memory_space<semaphore_mem>> -> memref<!tpu.dma_semaphore, #tpu.memory_space<semaphore_mem>>
        tpu.wait_indirect_dma semaphore(%dma_wait3A_647 : memref<!tpu.dma_semaphore, #tpu.memory_space<semaphore_mem>>) src(%arg9 : memref<80x16xf32, #tpu.memory_space<vmem>>) dst(%dma_wait3A_645 : memref<10240x16xf32, #tpu.memory_space<vmem_shared>>)
      } else {
      }
      %add3A_434 = arith.constant 2 : i32
      %add3A_435 = arith.addi %while3A_371, %add3A_434 : i32
      %lt3A_436 = arith.cmpi slt, %add3A_435, %sub3A_0 : i32
      %convert_element_type3A_437 = arith.extui %lt3A_436 : i1 to i32
      %cond3A_438 = arith.constant 0 : i32
      %cond3A_439 = arith.cmpi ne, %convert_element_type3A_437, %cond3A_438 : i32
      scf.if %cond3A_439 {
        %add3A_546 = arith.constant 2 : i32
        %add3A_547 = arith.addi %while3A_371, %add3A_546 : i32
        %mul3A_548 = arith.constant 2 : i32
        %mul3A_549 = arith.muli %mul3A_548, %add3A_547 : i32
        %add3A_550 = arith.addi %mul3A_549, %arg0 : i32
        %jit3A_551 = arith.constant 4 : i32
        %eq3A_552 = arith.constant 0 : i32
        %eq3A_553 = arith.cmpi eq, %jit3A_551, %eq3A_552 : i32
        %jit3A_554 = arith.constant 1 : i32
        %select_n3A_555 = arith.select %eq3A_553, %jit3A_554, %jit3A_551 : i32
        %rem3A_556 = arith.remsi %add3A_547, %select_n3A_555 : i32
        %ne3A_557 = arith.constant 0 : i32
        %ne3A_558 = arith.cmpi ne, %rem3A_556, %ne3A_557 : i32
        %lt3A_559 = arith.constant 0 : i32
        %lt3A_560 = arith.cmpi slt, %rem3A_556, %lt3A_559 : i32
        %lt3A_561 = arith.constant 0 : i32
        %lt3A_562 = arith.cmpi slt, %select_n3A_555, %lt3A_561 : i32
        %ne3A_563 = arith.xori %lt3A_560, %lt3A_562 : i1
        %and3A_564 = arith.andi %ne3A_563, %ne3A_558 : i1
        %add3A_565 = arith.addi %rem3A_556, %select_n3A_555 : i32
        %select_n3A_566 = arith.select %and3A_564, %add3A_565, %rem3A_556 : i32
        %jit3A_567 = arith.constant 4 : i32
        %eq3A_568 = arith.constant 0 : i32
        %eq3A_569 = arith.cmpi eq, %jit3A_567, %eq3A_568 : i32
        %jit3A_570 = arith.constant 1 : i32
        %select_n3A_571 = arith.select %eq3A_569, %jit3A_570, %jit3A_567 : i32
        %rem3A_572 = arith.remsi %add3A_547, %select_n3A_571 : i32
        %ne3A_573 = arith.constant 0 : i32
        %ne3A_574 = arith.cmpi ne, %rem3A_572, %ne3A_573 : i32
        %lt3A_575 = arith.constant 0 : i32
        %lt3A_576 = arith.cmpi slt, %rem3A_572, %lt3A_575 : i32
        %lt3A_577 = arith.constant 0 : i32
        %lt3A_578 = arith.cmpi slt, %select_n3A_571, %lt3A_577 : i32
        %ne3A_579 = arith.xori %lt3A_576, %lt3A_578 : i1
        %and3A_580 = arith.andi %ne3A_579, %ne3A_574 : i1
        %add3A_581 = arith.addi %rem3A_572, %select_n3A_571 : i32
        %select_n3A_582 = arith.select %and3A_580, %add3A_581, %rem3A_572 : i32
        %dma_start3A_583 = arith.constant 0 : i32
        %dma_start3A_584 = arith.constant 0 : i32
        %dma_start3A_585 = tpu.memref_slice %arg6[%select_n3A_566, %dma_start3A_584] : memref<4x80xi32, #tpu.memory_space<vmem>> -> memref<1x80xi32, #tpu.memory_space<vmem>>
        %dma_start3A_586 = tpu.memref_squeeze %dma_start3A_585 : memref<1x80xi32, #tpu.memory_space<vmem>> -> memref<80xi32, #tpu.memory_space<vmem>>
        %dma_start3A_587 = arith.constant 0 : i32
        %dma_start3A_588 = tpu.memref_slice %arg3[%dma_start3A_583, %arg1, %add3A_550, %dma_start3A_587] : memref<2x16x125x80xi32, #tpu.memory_space<hbm>> -> memref<1x1x1x80xi32, #tpu.memory_space<hbm>>
        %dma_start3A_589 = tpu.memref_squeeze %dma_start3A_588 : memref<1x1x1x80xi32, #tpu.memory_space<hbm>> -> memref<80xi32, #tpu.memory_space<hbm>>
        %dma_start3A_590 = tpu.memref_slice %arg12[%select_n3A_582] : memref<4x!tpu.dma_semaphore, #tpu.memory_space<semaphore_mem>> -> memref<1x!tpu.dma_semaphore, #tpu.memory_space<semaphore_mem>>
        %dma_start3A_591 = tpu.memref_squeeze %dma_start3A_590 : memref<1x!tpu.dma_semaphore, #tpu.memory_space<semaphore_mem>> -> memref<!tpu.dma_semaphore, #tpu.memory_space<semaphore_mem>>
        %dma_start3A_592 = arith.constant 0 : i32
        %dma_start3A_593 = tpu.memref_slice %arg6[%select_n3A_566, %dma_start3A_592] : memref<4x80xi32, #tpu.memory_space<vmem>> -> memref<1x80xi32, #tpu.memory_space<vmem>>
        %dma_start3A_594 = tpu.memref_squeeze %dma_start3A_593 : memref<1x80xi32, #tpu.memory_space<vmem>> -> memref<80xi32, #tpu.memory_space<vmem>>
        %dma_start3A_595 = arith.constant 0 : i32
        %dma_start3A_596 = tpu.memref_slice %arg3[%dma_start3A_583, %arg1, %add3A_550, %dma_start3A_595] : memref<2x16x125x80xi32, #tpu.memory_space<hbm>> -> memref<1x1x1x80xi32, #tpu.memory_space<hbm>>
        %dma_start3A_597 = tpu.memref_squeeze %dma_start3A_596 : memref<1x1x1x80xi32, #tpu.memory_space<hbm>> -> memref<80xi32, #tpu.memory_space<hbm>>
        tpu.enqueue_dma source(%dma_start3A_597 : memref<80xi32, #tpu.memory_space<hbm>>) target(%dma_start3A_594 : memref<80xi32, #tpu.memory_space<vmem>>) target_semaphore(%dma_start3A_591 : memref<!tpu.dma_semaphore, #tpu.memory_space<semaphore_mem>>)
        %jit3A_598 = arith.constant 4 : i32
        %eq3A_599 = arith.constant 0 : i32
        %eq3A_600 = arith.cmpi eq, %jit3A_598, %eq3A_599 : i32
        %jit3A_601 = arith.constant 1 : i32
        %select_n3A_602 = arith.select %eq3A_600, %jit3A_601, %jit3A_598 : i32
        %rem3A_603 = arith.remsi %add3A_547, %select_n3A_602 : i32
        %ne3A_604 = arith.constant 0 : i32
        %ne3A_605 = arith.cmpi ne, %rem3A_603, %ne3A_604 : i32
        %lt3A_606 = arith.constant 0 : i32
        %lt3A_607 = arith.cmpi slt, %rem3A_603, %lt3A_606 : i32
        %lt3A_608 = arith.constant 0 : i32
        %lt3A_609 = arith.cmpi slt, %select_n3A_602, %lt3A_608 : i32
        %ne3A_610 = arith.xori %lt3A_607, %lt3A_609 : i1
        %and3A_611 = arith.andi %ne3A_610, %ne3A_605 : i1
        %add3A_612 = arith.addi %rem3A_603, %select_n3A_602 : i32
        %select_n3A_613 = arith.select %and3A_611, %add3A_612, %rem3A_603 : i32
        %jit3A_614 = arith.constant 4 : i32
        %eq3A_615 = arith.constant 0 : i32
        %eq3A_616 = arith.cmpi eq, %jit3A_614, %eq3A_615 : i32
        %jit3A_617 = arith.constant 1 : i32
        %select_n3A_618 = arith.select %eq3A_616, %jit3A_617, %jit3A_614 : i32
        %rem3A_619 = arith.remsi %add3A_547, %select_n3A_618 : i32
        %ne3A_620 = arith.constant 0 : i32
        %ne3A_621 = arith.cmpi ne, %rem3A_619, %ne3A_620 : i32
        %lt3A_622 = arith.constant 0 : i32
        %lt3A_623 = arith.cmpi slt, %rem3A_619, %lt3A_622 : i32
        %lt3A_624 = arith.constant 0 : i32
        %lt3A_625 = arith.cmpi slt, %select_n3A_618, %lt3A_624 : i32
        %ne3A_626 = arith.xori %lt3A_623, %lt3A_625 : i1
        %and3A_627 = arith.andi %ne3A_626, %ne3A_621 : i1
        %add3A_628 = arith.addi %rem3A_619, %select_n3A_618 : i32
        %select_n3A_629 = arith.select %and3A_627, %add3A_628, %rem3A_619 : i32
        %dma_start3A_630 = arith.constant 1 : i32
        %dma_start3A_631 = arith.constant 0 : i32
        %dma_start3A_632 = tpu.memref_slice %arg7[%select_n3A_613, %dma_start3A_631] : memref<4x80xi32, #tpu.memory_space<vmem>> -> memref<1x80xi32, #tpu.memory_space<vmem>>
        %dma_start3A_633 = tpu.memref_squeeze %dma_start3A_632 : memref<1x80xi32, #tpu.memory_space<vmem>> -> memref<80xi32, #tpu.memory_space<vmem>>
        %dma_start3A_634 = arith.constant 0 : i32
        %dma_start3A_635 = tpu.memref_slice %arg3[%dma_start3A_630, %arg1, %add3A_550, %dma_start3A_634] : memref<2x16x125x80xi32, #tpu.memory_space<hbm>> -> memref<1x1x1x80xi32, #tpu.memory_space<hbm>>
        %dma_start3A_636 = tpu.memref_squeeze %dma_start3A_635 : memref<1x1x1x80xi32, #tpu.memory_space<hbm>> -> memref<80xi32, #tpu.memory_space<hbm>>
        %dma_start3A_637 = tpu.memref_slice %arg12[%select_n3A_629] : memref<4x!tpu.dma_semaphore, #tpu.memory_space<semaphore_mem>> -> memref<1x!tpu.dma_semaphore, #tpu.memory_space<semaphore_mem>>
        %dma_start3A_638 = tpu.memref_squeeze %dma_start3A_637 : memref<1x!tpu.dma_semaphore, #tpu.memory_space<semaphore_mem>> -> memref<!tpu.dma_semaphore, #tpu.memory_space<semaphore_mem>>
        %dma_start3A_639 = arith.constant 0 : i32
        %dma_start3A_640 = tpu.memref_slice %arg7[%select_n3A_613, %dma_start3A_639] : memref<4x80xi32, #tpu.memory_space<vmem>> -> memref<1x80xi32, #tpu.memory_space<vmem>>
        %dma_start3A_641 = tpu.memref_squeeze %dma_start3A_640 : memref<1x80xi32, #tpu.memory_space<vmem>> -> memref<80xi32, #tpu.memory_space<vmem>>
        %dma_start3A_642 = arith.constant 0 : i32
        %dma_start3A_643 = tpu.memref_slice %arg3[%dma_start3A_630, %arg1, %add3A_550, %dma_start3A_642] : memref<2x16x125x80xi32, #tpu.memory_space<hbm>> -> memref<1x1x1x80xi32, #tpu.memory_space<hbm>>
        %dma_start3A_644 = tpu.memref_squeeze %dma_start3A_643 : memref<1x1x1x80xi32, #tpu.memory_space<hbm>> -> memref<80xi32, #tpu.memory_space<hbm>>
        tpu.enqueue_dma source(%dma_start3A_644 : memref<80xi32, #tpu.memory_space<hbm>>) target(%dma_start3A_641 : memref<80xi32, #tpu.memory_space<vmem>>) target_semaphore(%dma_start3A_638 : memref<!tpu.dma_semaphore, #tpu.memory_space<semaphore_mem>>)
      } else {
      }
      %add3A_440 = arith.constant 1 : i32
      %add3A_441 = arith.addi %while3A_371, %add3A_440 : i32
      %lt3A_442 = arith.cmpi slt, %add3A_441, %sub3A_0 : i32
      %convert_element_type3A_443 = arith.extui %lt3A_442 : i1 to i32
      %cond3A_444 = arith.constant 0 : i32
      %cond3A_445 = arith.cmpi ne, %convert_element_type3A_443, %cond3A_444 : i32
      scf.if %cond3A_445 {
        %add3A_546 = arith.constant 1 : i32
        %add3A_547 = arith.addi %while3A_371, %add3A_546 : i32
        %mul3A_548 = arith.constant 2 : i32
        %mul3A_549 = arith.muli %mul3A_548, %add3A_547 : i32
        %add3A_550 = arith.addi %mul3A_549, %arg0 : i32
        %jit3A_551 = arith.constant 4 : i32
        %eq3A_552 = arith.constant 0 : i32
        %eq3A_553 = arith.cmpi eq, %jit3A_551, %eq3A_552 : i32
        %jit3A_554 = arith.constant 1 : i32
        %select_n3A_555 = arith.select %eq3A_553, %jit3A_554, %jit3A_551 : i32
        %rem3A_556 = arith.remsi %add3A_547, %select_n3A_555 : i32
        %ne3A_557 = arith.constant 0 : i32
        %ne3A_558 = arith.cmpi ne, %rem3A_556, %ne3A_557 : i32
        %lt3A_559 = arith.constant 0 : i32
        %lt3A_560 = arith.cmpi slt, %rem3A_556, %lt3A_559 : i32
        %lt3A_561 = arith.constant 0 : i32
        %lt3A_562 = arith.cmpi slt, %select_n3A_555, %lt3A_561 : i32
        %ne3A_563 = arith.xori %lt3A_560, %lt3A_562 : i1
        %and3A_564 = arith.andi %ne3A_563, %ne3A_558 : i1
        %add3A_565 = arith.addi %rem3A_556, %select_n3A_555 : i32
        %select_n3A_566 = arith.select %and3A_564, %add3A_565, %rem3A_556 : i32
        %jit3A_567 = arith.constant 4 : i32
        %eq3A_568 = arith.constant 0 : i32
        %eq3A_569 = arith.cmpi eq, %jit3A_567, %eq3A_568 : i32
        %jit3A_570 = arith.constant 1 : i32
        %select_n3A_571 = arith.select %eq3A_569, %jit3A_570, %jit3A_567 : i32
        %rem3A_572 = arith.remsi %add3A_547, %select_n3A_571 : i32
        %ne3A_573 = arith.constant 0 : i32
        %ne3A_574 = arith.cmpi ne, %rem3A_572, %ne3A_573 : i32
        %lt3A_575 = arith.constant 0 : i32
        %lt3A_576 = arith.cmpi slt, %rem3A_572, %lt3A_575 : i32
        %lt3A_577 = arith.constant 0 : i32
        %lt3A_578 = arith.cmpi slt, %select_n3A_571, %lt3A_577 : i32
        %ne3A_579 = arith.xori %lt3A_576, %lt3A_578 : i1
        %and3A_580 = arith.andi %ne3A_579, %ne3A_574 : i1
        %add3A_581 = arith.addi %rem3A_572, %select_n3A_571 : i32
        %select_n3A_582 = arith.select %and3A_580, %add3A_581, %rem3A_572 : i32
        %dma_wait3A_583 = arith.constant 0 : i32
        %dma_wait3A_584 = arith.constant 0 : i32
        %dma_wait3A_585 = tpu.memref_slice %arg6[%select_n3A_566, %dma_wait3A_584] : memref<4x80xi32, #tpu.memory_space<vmem>> -> memref<1x80xi32, #tpu.memory_space<vmem>>
        %dma_wait3A_586 = tpu.memref_squeeze %dma_wait3A_585 : memref<1x80xi32, #tpu.memory_space<vmem>> -> memref<80xi32, #tpu.memory_space<vmem>>
        %dma_wait3A_587 = arith.constant 0 : i32
        %dma_wait3A_588 = tpu.memref_slice %arg3[%dma_wait3A_583, %arg1, %add3A_550, %dma_wait3A_587] : memref<2x16x125x80xi32, #tpu.memory_space<hbm>> -> memref<1x1x1x80xi32, #tpu.memory_space<hbm>>
        %dma_wait3A_589 = tpu.memref_squeeze %dma_wait3A_588 : memref<1x1x1x80xi32, #tpu.memory_space<hbm>> -> memref<80xi32, #tpu.memory_space<hbm>>
        %dma_wait3A_590 = tpu.memref_slice %arg12[%select_n3A_582] : memref<4x!tpu.dma_semaphore, #tpu.memory_space<semaphore_mem>> -> memref<1x!tpu.dma_semaphore, #tpu.memory_space<semaphore_mem>>
        %dma_wait3A_591 = tpu.memref_squeeze %dma_wait3A_590 : memref<1x!tpu.dma_semaphore, #tpu.memory_space<semaphore_mem>> -> memref<!tpu.dma_semaphore, #tpu.memory_space<semaphore_mem>>
        %dma_wait3A_592 = arith.constant 0 : i32
        %dma_wait3A_593 = tpu.memref_slice %arg6[%select_n3A_566, %dma_wait3A_592] : memref<4x80xi32, #tpu.memory_space<vmem>> -> memref<1x80xi32, #tpu.memory_space<vmem>>
        %dma_wait3A_594 = tpu.memref_squeeze %dma_wait3A_593 : memref<1x80xi32, #tpu.memory_space<vmem>> -> memref<80xi32, #tpu.memory_space<vmem>>
        %dma_wait3A_595 = arith.constant 0 : i32
        %dma_wait3A_596 = tpu.memref_slice %arg3[%dma_wait3A_583, %arg1, %add3A_550, %dma_wait3A_595] : memref<2x16x125x80xi32, #tpu.memory_space<hbm>> -> memref<1x1x1x80xi32, #tpu.memory_space<hbm>>
        %dma_wait3A_597 = tpu.memref_squeeze %dma_wait3A_596 : memref<1x1x1x80xi32, #tpu.memory_space<hbm>> -> memref<80xi32, #tpu.memory_space<hbm>>
        tpu.wait_dma2 semaphore(%dma_wait3A_591 : memref<!tpu.dma_semaphore, #tpu.memory_space<semaphore_mem>>) src(%dma_wait3A_597 : memref<80xi32, #tpu.memory_space<hbm>>) dst(%dma_wait3A_594 : memref<80xi32, #tpu.memory_space<vmem>>)
        %jit3A_598 = arith.constant 4 : i32
        %eq3A_599 = arith.constant 0 : i32
        %eq3A_600 = arith.cmpi eq, %jit3A_598, %eq3A_599 : i32
        %jit3A_601 = arith.constant 1 : i32
        %select_n3A_602 = arith.select %eq3A_600, %jit3A_601, %jit3A_598 : i32
        %rem3A_603 = arith.remsi %add3A_547, %select_n3A_602 : i32
        %ne3A_604 = arith.constant 0 : i32
        %ne3A_605 = arith.cmpi ne, %rem3A_603, %ne3A_604 : i32
        %lt3A_606 = arith.constant 0 : i32
        %lt3A_607 = arith.cmpi slt, %rem3A_603, %lt3A_606 : i32
        %lt3A_608 = arith.constant 0 : i32
        %lt3A_609 = arith.cmpi slt, %select_n3A_602, %lt3A_608 : i32
        %ne3A_610 = arith.xori %lt3A_607, %lt3A_609 : i1
        %and3A_611 = arith.andi %ne3A_610, %ne3A_605 : i1
        %add3A_612 = arith.addi %rem3A_603, %select_n3A_602 : i32
        %select_n3A_613 = arith.select %and3A_611, %add3A_612, %rem3A_603 : i32
        %jit3A_614 = arith.constant 4 : i32
        %eq3A_615 = arith.constant 0 : i32
        %eq3A_616 = arith.cmpi eq, %jit3A_614, %eq3A_615 : i32
        %jit3A_617 = arith.constant 1 : i32
        %select_n3A_618 = arith.select %eq3A_616, %jit3A_617, %jit3A_614 : i32
        %rem3A_619 = arith.remsi %add3A_547, %select_n3A_618 : i32
        %ne3A_620 = arith.constant 0 : i32
        %ne3A_621 = arith.cmpi ne, %rem3A_619, %ne3A_620 : i32
        %lt3A_622 = arith.constant 0 : i32
        %lt3A_623 = arith.cmpi slt, %rem3A_619, %lt3A_622 : i32
        %lt3A_624 = arith.constant 0 : i32
        %lt3A_625 = arith.cmpi slt, %select_n3A_618, %lt3A_624 : i32
        %ne3A_626 = arith.xori %lt3A_623, %lt3A_625 : i1
        %and3A_627 = arith.andi %ne3A_626, %ne3A_621 : i1
        %add3A_628 = arith.addi %rem3A_619, %select_n3A_618 : i32
        %select_n3A_629 = arith.select %and3A_627, %add3A_628, %rem3A_619 : i32
        %dma_wait3A_630 = arith.constant 1 : i32
        %dma_wait3A_631 = arith.constant 0 : i32
        %dma_wait3A_632 = tpu.memref_slice %arg7[%select_n3A_613, %dma_wait3A_631] : memref<4x80xi32, #tpu.memory_space<vmem>> -> memref<1x80xi32, #tpu.memory_space<vmem>>
        %dma_wait3A_633 = tpu.memref_squeeze %dma_wait3A_632 : memref<1x80xi32, #tpu.memory_space<vmem>> -> memref<80xi32, #tpu.memory_space<vmem>>
        %dma_wait3A_634 = arith.constant 0 : i32
        %dma_wait3A_635 = tpu.memref_slice %arg3[%dma_wait3A_630, %arg1, %add3A_550, %dma_wait3A_634] : memref<2x16x125x80xi32, #tpu.memory_space<hbm>> -> memref<1x1x1x80xi32, #tpu.memory_space<hbm>>
        %dma_wait3A_636 = tpu.memref_squeeze %dma_wait3A_635 : memref<1x1x1x80xi32, #tpu.memory_space<hbm>> -> memref<80xi32, #tpu.memory_space<hbm>>
        %dma_wait3A_637 = tpu.memref_slice %arg12[%select_n3A_629] : memref<4x!tpu.dma_semaphore, #tpu.memory_space<semaphore_mem>> -> memref<1x!tpu.dma_semaphore, #tpu.memory_space<semaphore_mem>>
        %dma_wait3A_638 = tpu.memref_squeeze %dma_wait3A_637 : memref<1x!tpu.dma_semaphore, #tpu.memory_space<semaphore_mem>> -> memref<!tpu.dma_semaphore, #tpu.memory_space<semaphore_mem>>
        %dma_wait3A_639 = arith.constant 0 : i32
        %dma_wait3A_640 = tpu.memref_slice %arg7[%select_n3A_613, %dma_wait3A_639] : memref<4x80xi32, #tpu.memory_space<vmem>> -> memref<1x80xi32, #tpu.memory_space<vmem>>
        %dma_wait3A_641 = tpu.memref_squeeze %dma_wait3A_640 : memref<1x80xi32, #tpu.memory_space<vmem>> -> memref<80xi32, #tpu.memory_space<vmem>>
        %dma_wait3A_642 = arith.constant 0 : i32
        %dma_wait3A_643 = tpu.memref_slice %arg3[%dma_wait3A_630, %arg1, %add3A_550, %dma_wait3A_642] : memref<2x16x125x80xi32, #tpu.memory_space<hbm>> -> memref<1x1x1x80xi32, #tpu.memory_space<hbm>>
        %dma_wait3A_644 = tpu.memref_squeeze %dma_wait3A_643 : memref<1x1x1x80xi32, #tpu.memory_space<hbm>> -> memref<80xi32, #tpu.memory_space<hbm>>
        tpu.wait_dma2 semaphore(%dma_wait3A_638 : memref<!tpu.dma_semaphore, #tpu.memory_space<semaphore_mem>>) src(%dma_wait3A_644 : memref<80xi32, #tpu.memory_space<hbm>>) dst(%dma_wait3A_641 : memref<80xi32, #tpu.memory_space<vmem>>)
        %add3A_645 = arith.constant 1 : i32
        %add3A_646 = arith.addi %while3A_371, %add3A_645 : i32
        %jit3A_647 = arith.constant 4 : i32
        %eq3A_648 = arith.constant 0 : i32
        %eq3A_649 = arith.cmpi eq, %jit3A_647, %eq3A_648 : i32
        %jit3A_650 = arith.constant 1 : i32
        %select_n3A_651 = arith.select %eq3A_649, %jit3A_650, %jit3A_647 : i32
        %rem3A_652 = arith.remsi %add3A_646, %select_n3A_651 : i32
        %ne3A_653 = arith.constant 0 : i32
        %ne3A_654 = arith.cmpi ne, %rem3A_652, %ne3A_653 : i32
        %lt3A_655 = arith.constant 0 : i32
        %lt3A_656 = arith.cmpi slt, %rem3A_652, %lt3A_655 : i32
        %lt3A_657 = arith.constant 0 : i32
        %lt3A_658 = arith.cmpi slt, %select_n3A_651, %lt3A_657 : i32
        %ne3A_659 = arith.xori %lt3A_656, %lt3A_658 : i1
        %and3A_660 = arith.andi %ne3A_659, %ne3A_654 : i1
        %add3A_661 = arith.addi %rem3A_652, %select_n3A_651 : i32
        %select_n3A_662 = arith.select %and3A_660, %add3A_661, %rem3A_652 : i32
        %jit3A_663 = arith.constant 3 : i32
        %eq3A_664 = arith.constant 0 : i32
        %eq3A_665 = arith.cmpi eq, %jit3A_663, %eq3A_664 : i32
        %jit3A_666 = arith.constant 1 : i32
        %select_n3A_667 = arith.select %eq3A_665, %jit3A_666, %jit3A_663 : i32
        %rem3A_668 = arith.remsi %add3A_646, %select_n3A_667 : i32
        %ne3A_669 = arith.constant 0 : i32
        %ne3A_670 = arith.cmpi ne, %rem3A_668, %ne3A_669 : i32
        %lt3A_671 = arith.constant 0 : i32
        %lt3A_672 = arith.cmpi slt, %rem3A_668, %lt3A_671 : i32
        %lt3A_673 = arith.constant 0 : i32
        %lt3A_674 = arith.cmpi slt, %select_n3A_667, %lt3A_673 : i32
        %ne3A_675 = arith.xori %lt3A_672, %lt3A_674 : i1
        %and3A_676 = arith.andi %ne3A_675, %ne3A_670 : i1
        %add3A_677 = arith.addi %rem3A_668, %select_n3A_667 : i32
        %select_n3A_678 = arith.select %and3A_676, %add3A_677, %rem3A_668 : i32
        %jit3A_679 = arith.constant 3 : i32
        %eq3A_680 = arith.constant 0 : i32
        %eq3A_681 = arith.cmpi eq, %jit3A_679, %eq3A_680 : i32
        %jit3A_682 = arith.constant 1 : i32
        %select_n3A_683 = arith.select %eq3A_681, %jit3A_682, %jit3A_679 : i32
        %rem3A_684 = arith.remsi %add3A_646, %select_n3A_683 : i32
        %ne3A_685 = arith.constant 0 : i32
        %ne3A_686 = arith.cmpi ne, %rem3A_684, %ne3A_685 : i32
        %lt3A_687 = arith.constant 0 : i32
        %lt3A_688 = arith.cmpi slt, %rem3A_684, %lt3A_687 : i32
        %lt3A_689 = arith.constant 0 : i32
        %lt3A_690 = arith.cmpi slt, %select_n3A_683, %lt3A_689 : i32
        %ne3A_691 = arith.xori %lt3A_688, %lt3A_690 : i1
        %and3A_692 = arith.andi %ne3A_691, %ne3A_686 : i1
        %add3A_693 = arith.addi %rem3A_684, %select_n3A_683 : i32
        %select_n3A_694 = arith.select %and3A_692, %add3A_693, %rem3A_684 : i32
        %dma_start3A_695 = arith.constant 0 : i32
        %dma_start3A_696 = arith.constant 0 : i32
        %dma_start3A_697 = tpu.memref_slice %arg8[%select_n3A_678, %dma_start3A_695, %dma_start3A_696] : memref<3x80x256xbf16, #tpu.memory_space<vmem>> -> memref<1x80x256xbf16, #tpu.memory_space<vmem>>
        %dma_start3A_698 = tpu.memref_squeeze %dma_start3A_697 : memref<1x80x256xbf16, #tpu.memory_space<vmem>> -> memref<80x256xbf16, #tpu.memory_space<vmem>>
        %dma_start3A_699 = arith.constant 0 : i32
        %dma_start3A_700 = tpu.memref_slice %arg6[%select_n3A_662, %dma_start3A_699] : memref<4x80xi32, #tpu.memory_space<vmem>> -> memref<1x80xi32, #tpu.memory_space<vmem>>
        %dma_start3A_701 = tpu.memref_squeeze %dma_start3A_700 : memref<1x80xi32, #tpu.memory_space<vmem>> -> memref<80xi32, #tpu.memory_space<vmem>>
        %dma_start3A_702 = arith.constant 0 : i32
        %dma_start3A_703 = arith.constant 0 : i32
        %dma_start3A_704 = tpu.memref_slice %arg2[%dma_start3A_702, %dma_start3A_703] : memref<10000x256xbf16, #tpu.memory_space<hbm>> -> memref<10000x256xbf16, #tpu.memory_space<hbm>>
        %dma_start3A_705 = tpu.memref_slice %arg13[%select_n3A_694] : memref<3x!tpu.dma_semaphore, #tpu.memory_space<semaphore_mem>> -> memref<1x!tpu.dma_semaphore, #tpu.memory_space<semaphore_mem>>
        %dma_start3A_706 = tpu.memref_squeeze %dma_start3A_705 : memref<1x!tpu.dma_semaphore, #tpu.memory_space<semaphore_mem>> -> memref<!tpu.dma_semaphore, #tpu.memory_space<semaphore_mem>>
        tpu.enqueue_indirect_dma source(%dma_start3A_704 : memref<10000x256xbf16, #tpu.memory_space<hbm>>) target(%dma_start3A_698 : memref<80x256xbf16, #tpu.memory_space<vmem>>) offsets(%dma_start3A_701 : memref<80xi32, #tpu.memory_space<vmem>>) semaphore(%dma_start3A_706 : memref<!tpu.dma_semaphore, #tpu.memory_space<semaphore_mem>>)
      } else {
      }
      %jit3A_446 = arith.constant 3 : i32
      %eq3A_447 = arith.constant 0 : i32
      %eq3A_448 = arith.cmpi eq, %jit3A_446, %eq3A_447 : i32
      %jit3A_449 = arith.constant 1 : i32
      %select_n3A_450 = arith.select %eq3A_448, %jit3A_449, %jit3A_446 : i32
      %rem3A_451 = arith.remsi %while3A_371, %select_n3A_450 : i32
      %ne3A_452 = arith.constant 0 : i32
      %ne3A_453 = arith.cmpi ne, %rem3A_451, %ne3A_452 : i32
      %lt3A_454 = arith.constant 0 : i32
      %lt3A_455 = arith.cmpi slt, %rem3A_451, %lt3A_454 : i32
      %lt3A_456 = arith.constant 0 : i32
      %lt3A_457 = arith.cmpi slt, %select_n3A_450, %lt3A_456 : i32
      %ne3A_458 = arith.xori %lt3A_455, %lt3A_457 : i1
      %and3A_459 = arith.andi %ne3A_458, %ne3A_453 : i1
      %add3A_460 = arith.addi %rem3A_451, %select_n3A_450 : i32
      %select_n3A_461 = arith.select %and3A_459, %add3A_460, %rem3A_451 : i32
      %jit3A_462 = arith.constant 4 : i32
      %eq3A_463 = arith.constant 0 : i32
      %eq3A_464 = arith.cmpi eq, %jit3A_462, %eq3A_463 : i32
      %jit3A_465 = arith.constant 1 : i32
      %select_n3A_466 = arith.select %eq3A_464, %jit3A_465, %jit3A_462 : i32
      %rem3A_467 = arith.remsi %while3A_371, %select_n3A_466 : i32
      %ne3A_468 = arith.constant 0 : i32
      %ne3A_469 = arith.cmpi ne, %rem3A_467, %ne3A_468 : i32
      %lt3A_470 = arith.constant 0 : i32
      %lt3A_471 = arith.cmpi slt, %rem3A_467, %lt3A_470 : i32
      %lt3A_472 = arith.constant 0 : i32
      %lt3A_473 = arith.cmpi slt, %select_n3A_466, %lt3A_472 : i32
      %ne3A_474 = arith.xori %lt3A_471, %lt3A_473 : i1
      %and3A_475 = arith.andi %ne3A_474, %ne3A_469 : i1
      %add3A_476 = arith.addi %rem3A_467, %select_n3A_466 : i32
      %select_n3A_477 = arith.select %and3A_475, %add3A_476, %rem3A_467 : i32
      %jit3A_478 = arith.constant 3 : i32
      %eq3A_479 = arith.constant 0 : i32
      %eq3A_480 = arith.cmpi eq, %jit3A_478, %eq3A_479 : i32
      %jit3A_481 = arith.constant 1 : i32
      %select_n3A_482 = arith.select %eq3A_480, %jit3A_481, %jit3A_478 : i32
      %rem3A_483 = arith.remsi %while3A_371, %select_n3A_482 : i32
      %ne3A_484 = arith.constant 0 : i32
      %ne3A_485 = arith.cmpi ne, %rem3A_483, %ne3A_484 : i32
      %lt3A_486 = arith.constant 0 : i32
      %lt3A_487 = arith.cmpi slt, %rem3A_483, %lt3A_486 : i32
      %lt3A_488 = arith.constant 0 : i32
      %lt3A_489 = arith.cmpi slt, %select_n3A_482, %lt3A_488 : i32
      %ne3A_490 = arith.xori %lt3A_487, %lt3A_489 : i1
      %and3A_491 = arith.andi %ne3A_490, %ne3A_485 : i1
      %add3A_492 = arith.addi %rem3A_483, %select_n3A_482 : i32
      %select_n3A_493 = arith.select %and3A_491, %add3A_492, %rem3A_483 : i32
      %dma_start3A_494 = arith.constant 0 : i32
      %dma_start3A_495 = arith.constant 0 : i32
      %dma_start3A_496 = tpu.memref_slice %arg8[%select_n3A_461, %dma_start3A_494, %dma_start3A_495] : memref<3x80x256xbf16, #tpu.memory_space<vmem>> -> memref<1x80x256xbf16, #tpu.memory_space<vmem>>
      %dma_start3A_497 = tpu.memref_squeeze %dma_start3A_496 : memref<1x80x256xbf16, #tpu.memory_space<vmem>> -> memref<80x256xbf16, #tpu.memory_space<vmem>>
      %dma_start3A_498 = arith.constant 0 : i32
      %dma_start3A_499 = tpu.memref_slice %arg7[%select_n3A_477, %dma_start3A_498] : memref<4x80xi32, #tpu.memory_space<vmem>> -> memref<1x80xi32, #tpu.memory_space<vmem>>
      %dma_start3A_500 = tpu.memref_squeeze %dma_start3A_499 : memref<1x80xi32, #tpu.memory_space<vmem>> -> memref<80xi32, #tpu.memory_space<vmem>>
      %dma_start3A_501 = arith.constant 0 : i32
      %dma_start3A_502 = arith.constant 0 : i32
      %dma_start3A_503 = tpu.memref_slice %arg10[%dma_start3A_501, %dma_start3A_502] : memref<10240x256xbf16, #tpu.memory_space<vmem_shared>> -> memref<10240x256xbf16, #tpu.memory_space<vmem_shared>>
      %dma_start3A_504 = tpu.memref_slice %arg14[%select_n3A_493] : memref<3x!tpu.dma_semaphore, #tpu.memory_space<semaphore_mem>> -> memref<1x!tpu.dma_semaphore, #tpu.memory_space<semaphore_mem>>
      %dma_start3A_505 = tpu.memref_squeeze %dma_start3A_504 : memref<1x!tpu.dma_semaphore, #tpu.memory_space<semaphore_mem>> -> memref<!tpu.dma_semaphore, #tpu.memory_space<semaphore_mem>>
      tpu.enqueue_indirect_dma source(%dma_start3A_497 : memref<80x256xbf16, #tpu.memory_space<vmem>>) target(%dma_start3A_503 : memref<10240x256xbf16, #tpu.memory_space<vmem_shared>>) offsets(%dma_start3A_500 : memref<80xi32, #tpu.memory_space<vmem>>) semaphore(%dma_start3A_505 : memref<!tpu.dma_semaphore, #tpu.memory_space<semaphore_mem>>) {add = true}
      %jit3A_506 = arith.constant 4 : i32
      %eq3A_507 = arith.constant 0 : i32
      %eq3A_508 = arith.cmpi eq, %jit3A_506, %eq3A_507 : i32
      %jit3A_509 = arith.constant 1 : i32
      %select_n3A_510 = arith.select %eq3A_508, %jit3A_509, %jit3A_506 : i32
      %rem3A_511 = arith.remsi %while3A_371, %select_n3A_510 : i32
      %ne3A_512 = arith.constant 0 : i32
      %ne3A_513 = arith.cmpi ne, %rem3A_511, %ne3A_512 : i32
      %lt3A_514 = arith.constant 0 : i32
      %lt3A_515 = arith.cmpi slt, %rem3A_511, %lt3A_514 : i32
      %lt3A_516 = arith.constant 0 : i32
      %lt3A_517 = arith.cmpi slt, %select_n3A_510, %lt3A_516 : i32
      %ne3A_518 = arith.xori %lt3A_515, %lt3A_517 : i1
      %and3A_519 = arith.andi %ne3A_518, %ne3A_513 : i1
      %add3A_520 = arith.addi %rem3A_511, %select_n3A_510 : i32
      %select_n3A_521 = arith.select %and3A_519, %add3A_520, %rem3A_511 : i32
      %jit3A_522 = arith.constant 3 : i32
      %eq3A_523 = arith.constant 0 : i32
      %eq3A_524 = arith.cmpi eq, %jit3A_522, %eq3A_523 : i32
      %jit3A_525 = arith.constant 1 : i32
      %select_n3A_526 = arith.select %eq3A_524, %jit3A_525, %jit3A_522 : i32
      %rem3A_527 = arith.remsi %while3A_371, %select_n3A_526 : i32
      %ne3A_528 = arith.constant 0 : i32
      %ne3A_529 = arith.cmpi ne, %rem3A_527, %ne3A_528 : i32
      %lt3A_530 = arith.constant 0 : i32
      %lt3A_531 = arith.cmpi slt, %rem3A_527, %lt3A_530 : i32
      %lt3A_532 = arith.constant 0 : i32
      %lt3A_533 = arith.cmpi slt, %select_n3A_526, %lt3A_532 : i32
      %ne3A_534 = arith.xori %lt3A_531, %lt3A_533 : i1
      %and3A_535 = arith.andi %ne3A_534, %ne3A_529 : i1
      %add3A_536 = arith.addi %rem3A_527, %select_n3A_526 : i32
      %select_n3A_537 = arith.select %and3A_535, %add3A_536, %rem3A_527 : i32
      %dma_start3A_538 = arith.constant 0 : i32
      %dma_start3A_539 = tpu.memref_slice %arg7[%select_n3A_521, %dma_start3A_538] : memref<4x80xi32, #tpu.memory_space<vmem>> -> memref<1x80xi32, #tpu.memory_space<vmem>>
      %dma_start3A_540 = tpu.memref_squeeze %dma_start3A_539 : memref<1x80xi32, #tpu.memory_space<vmem>> -> memref<80xi32, #tpu.memory_space<vmem>>
      %dma_start3A_541 = arith.constant 0 : i32
      %dma_start3A_542 = arith.constant 0 : i32
      %dma_start3A_543 = tpu.memref_slice %arg11[%dma_start3A_541, %dma_start3A_542] : memref<10240x16xf32, #tpu.memory_space<vmem_shared>> -> memref<10240x16xf32, #tpu.memory_space<vmem_shared>>
      %dma_start3A_544 = tpu.memref_slice %arg14[%select_n3A_537] : memref<3x!tpu.dma_semaphore, #tpu.memory_space<semaphore_mem>> -> memref<1x!tpu.dma_semaphore, #tpu.memory_space<semaphore_mem>>
      %dma_start3A_545 = tpu.memref_squeeze %dma_start3A_544 : memref<1x!tpu.dma_semaphore, #tpu.memory_space<semaphore_mem>> -> memref<!tpu.dma_semaphore, #tpu.memory_space<semaphore_mem>>
      tpu.enqueue_indirect_dma source(%arg9 : memref<80x16xf32, #tpu.memory_space<vmem>>) target(%dma_start3A_543 : memref<10240x16xf32, #tpu.memory_space<vmem_shared>>) offsets(%dma_start3A_540 : memref<80xi32, #tpu.memory_space<vmem>>) semaphore(%dma_start3A_545 : memref<!tpu.dma_semaphore, #tpu.memory_space<semaphore_mem>>) {add = true}
    }
    %while3A_165 = arith.constant 1 : i32
    scf.for %while3A_371 = %while3A_163 to %while3A_159 step %while3A_165  : i32 {
      %jit3A_372 = arith.constant 4 : i32
      %eq3A_373 = arith.constant 0 : i32
      %eq3A_374 = arith.cmpi eq, %jit3A_372, %eq3A_373 : i32
      %jit3A_375 = arith.constant 1 : i32
      %select_n3A_376 = arith.select %eq3A_374, %jit3A_375, %jit3A_372 : i32
      %rem3A_377 = arith.remsi %while3A_371, %select_n3A_376 : i32
      %ne3A_378 = arith.constant 0 : i32
      %ne3A_379 = arith.cmpi ne, %rem3A_377, %ne3A_378 : i32
      %lt3A_380 = arith.constant 0 : i32
      %lt3A_381 = arith.cmpi slt, %rem3A_377, %lt3A_380 : i32
      %lt3A_382 = arith.constant 0 : i32
      %lt3A_383 = arith.cmpi slt, %select_n3A_376, %lt3A_382 : i32
      %ne3A_384 = arith.xori %lt3A_381, %lt3A_383 : i1
      %and3A_385 = arith.andi %ne3A_384, %ne3A_379 : i1
      %add3A_386 = arith.addi %rem3A_377, %select_n3A_376 : i32
      %select_n3A_387 = arith.select %and3A_385, %add3A_386, %rem3A_377 : i32
      %jit3A_388 = arith.constant 3 : i32
      %eq3A_389 = arith.constant 0 : i32
      %eq3A_390 = arith.cmpi eq, %jit3A_388, %eq3A_389 : i32
      %jit3A_391 = arith.constant 1 : i32
      %select_n3A_392 = arith.select %eq3A_390, %jit3A_391, %jit3A_388 : i32
      %rem3A_393 = arith.remsi %while3A_371, %select_n3A_392 : i32
      %ne3A_394 = arith.constant 0 : i32
      %ne3A_395 = arith.cmpi ne, %rem3A_393, %ne3A_394 : i32
      %lt3A_396 = arith.constant 0 : i32
      %lt3A_397 = arith.cmpi slt, %rem3A_393, %lt3A_396 : i32
      %lt3A_398 = arith.constant 0 : i32
      %lt3A_399 = arith.cmpi slt, %select_n3A_392, %lt3A_398 : i32
      %ne3A_400 = arith.xori %lt3A_397, %lt3A_399 : i1
      %and3A_401 = arith.andi %ne3A_400, %ne3A_395 : i1
      %add3A_402 = arith.addi %rem3A_393, %select_n3A_392 : i32
      %select_n3A_403 = arith.select %and3A_401, %add3A_402, %rem3A_393 : i32
      %jit3A_404 = arith.constant 3 : i32
      %eq3A_405 = arith.constant 0 : i32
      %eq3A_406 = arith.cmpi eq, %jit3A_404, %eq3A_405 : i32
      %jit3A_407 = arith.constant 1 : i32
      %select_n3A_408 = arith.select %eq3A_406, %jit3A_407, %jit3A_404 : i32
      %rem3A_409 = arith.remsi %while3A_371, %select_n3A_408 : i32
      %ne3A_410 = arith.constant 0 : i32
      %ne3A_411 = arith.cmpi ne, %rem3A_409, %ne3A_410 : i32
      %lt3A_412 = arith.constant 0 : i32
      %lt3A_413 = arith.cmpi slt, %rem3A_409, %lt3A_412 : i32
      %lt3A_414 = arith.constant 0 : i32
      %lt3A_415 = arith.cmpi slt, %select_n3A_408, %lt3A_414 : i32
      %ne3A_416 = arith.xori %lt3A_413, %lt3A_415 : i1
      %and3A_417 = arith.andi %ne3A_416, %ne3A_411 : i1
      %add3A_418 = arith.addi %rem3A_409, %select_n3A_408 : i32
      %select_n3A_419 = arith.select %and3A_417, %add3A_418, %rem3A_409 : i32
      %dma_wait3A_420 = arith.constant 0 : i32
      %dma_wait3A_421 = arith.constant 0 : i32
      %dma_wait3A_422 = tpu.memref_slice %arg8[%select_n3A_403, %dma_wait3A_420, %dma_wait3A_421] : memref<3x80x256xbf16, #tpu.memory_space<vmem>> -> memref<1x80x256xbf16, #tpu.memory_space<vmem>>
      %dma_wait3A_423 = tpu.memref_squeeze %dma_wait3A_422 : memref<1x80x256xbf16, #tpu.memory_space<vmem>> -> memref<80x256xbf16, #tpu.memory_space<vmem>>
      %dma_wait3A_424 = arith.constant 0 : i32
      %dma_wait3A_425 = tpu.memref_slice %arg6[%select_n3A_387, %dma_wait3A_424] : memref<4x80xi32, #tpu.memory_space<vmem>> -> memref<1x80xi32, #tpu.memory_space<vmem>>
      %dma_wait3A_426 = tpu.memref_squeeze %dma_wait3A_425 : memref<1x80xi32, #tpu.memory_space<vmem>> -> memref<80xi32, #tpu.memory_space<vmem>>
      %dma_wait3A_427 = arith.constant 0 : i32
      %dma_wait3A_428 = arith.constant 0 : i32
      %dma_wait3A_429 = tpu.memref_slice %arg2[%dma_wait3A_427, %dma_wait3A_428] : memref<10000x256xbf16, #tpu.memory_space<hbm>> -> memref<10000x256xbf16, #tpu.memory_space<hbm>>
      %dma_wait3A_430 = tpu.memref_slice %arg13[%select_n3A_419] : memref<3x!tpu.dma_semaphore, #tpu.memory_space<semaphore_mem>> -> memref<1x!tpu.dma_semaphore, #tpu.memory_space<semaphore_mem>>
      %dma_wait3A_431 = tpu.memref_squeeze %dma_wait3A_430 : memref<1x!tpu.dma_semaphore, #tpu.memory_space<semaphore_mem>> -> memref<!tpu.dma_semaphore, #tpu.memory_space<semaphore_mem>>
      tpu.wait_indirect_dma semaphore(%dma_wait3A_431 : memref<!tpu.dma_semaphore, #tpu.memory_space<semaphore_mem>>) src(%dma_wait3A_429 : memref<10000x256xbf16, #tpu.memory_space<hbm>>) dst(%dma_wait3A_423 : memref<80x256xbf16, #tpu.memory_space<vmem>>)
      %ge3A = arith.constant 2 : i32
      %ge3A_432 = arith.cmpi sge, %while3A_371, %ge3A : i32
      %convert_element_type3A = arith.extui %ge3A_432 : i1 to i32
      %cond3A = arith.constant 0 : i32
      %cond3A_433 = arith.cmpi ne, %convert_element_type3A, %cond3A : i32
      scf.if %cond3A_433 {
        %sub3A_546 = arith.constant 2 : i32
        %sub3A_547 = arith.subi %while3A_371, %sub3A_546 : i32
        %jit3A_548 = arith.constant 3 : i32
        %eq3A_549 = arith.constant 0 : i32
        %eq3A_550 = arith.cmpi eq, %jit3A_548, %eq3A_549 : i32
        %jit3A_551 = arith.constant 1 : i32
        %select_n3A_552 = arith.select %eq3A_550, %jit3A_551, %jit3A_548 : i32
        %rem3A_553 = arith.remsi %sub3A_547, %select_n3A_552 : i32
        %ne3A_554 = arith.constant 0 : i32
        %ne3A_555 = arith.cmpi ne, %rem3A_553, %ne3A_554 : i32
        %lt3A_556 = arith.constant 0 : i32
        %lt3A_557 = arith.cmpi slt, %rem3A_553, %lt3A_556 : i32
        %lt3A_558 = arith.constant 0 : i32
        %lt3A_559 = arith.cmpi slt, %select_n3A_552, %lt3A_558 : i32
        %ne3A_560 = arith.xori %lt3A_557, %lt3A_559 : i1
        %and3A_561 = arith.andi %ne3A_560, %ne3A_555 : i1
        %add3A_562 = arith.addi %rem3A_553, %select_n3A_552 : i32
        %select_n3A_563 = arith.select %and3A_561, %add3A_562, %rem3A_553 : i32
        %jit3A_564 = arith.constant 4 : i32
        %eq3A_565 = arith.constant 0 : i32
        %eq3A_566 = arith.cmpi eq, %jit3A_564, %eq3A_565 : i32
        %jit3A_567 = arith.constant 1 : i32
        %select_n3A_568 = arith.select %eq3A_566, %jit3A_567, %jit3A_564 : i32
        %rem3A_569 = arith.remsi %sub3A_547, %select_n3A_568 : i32
        %ne3A_570 = arith.constant 0 : i32
        %ne3A_571 = arith.cmpi ne, %rem3A_569, %ne3A_570 : i32
        %lt3A_572 = arith.constant 0 : i32
        %lt3A_573 = arith.cmpi slt, %rem3A_569, %lt3A_572 : i32
        %lt3A_574 = arith.constant 0 : i32
        %lt3A_575 = arith.cmpi slt, %select_n3A_568, %lt3A_574 : i32
        %ne3A_576 = arith.xori %lt3A_573, %lt3A_575 : i1
        %and3A_577 = arith.andi %ne3A_576, %ne3A_571 : i1
        %add3A_578 = arith.addi %rem3A_569, %select_n3A_568 : i32
        %select_n3A_579 = arith.select %and3A_577, %add3A_578, %rem3A_569 : i32
        %jit3A_580 = arith.constant 3 : i32
        %eq3A_581 = arith.constant 0 : i32
        %eq3A_582 = arith.cmpi eq, %jit3A_580, %eq3A_581 : i32
        %jit3A_583 = arith.constant 1 : i32
        %select_n3A_584 = arith.select %eq3A_582, %jit3A_583, %jit3A_580 : i32
        %rem3A_585 = arith.remsi %sub3A_547, %select_n3A_584 : i32
        %ne3A_586 = arith.constant 0 : i32
        %ne3A_587 = arith.cmpi ne, %rem3A_585, %ne3A_586 : i32
        %lt3A_588 = arith.constant 0 : i32
        %lt3A_589 = arith.cmpi slt, %rem3A_585, %lt3A_588 : i32
        %lt3A_590 = arith.constant 0 : i32
        %lt3A_591 = arith.cmpi slt, %select_n3A_584, %lt3A_590 : i32
        %ne3A_592 = arith.xori %lt3A_589, %lt3A_591 : i1
        %and3A_593 = arith.andi %ne3A_592, %ne3A_587 : i1
        %add3A_594 = arith.addi %rem3A_585, %select_n3A_584 : i32
        %select_n3A_595 = arith.select %and3A_593, %add3A_594, %rem3A_585 : i32
        %dma_wait3A_596 = arith.constant 0 : i32
        %dma_wait3A_597 = arith.constant 0 : i32
        %dma_wait3A_598 = tpu.memref_slice %arg8[%select_n3A_563, %dma_wait3A_596, %dma_wait3A_597] : memref<3x80x256xbf16, #tpu.memory_space<vmem>> -> memref<1x80x256xbf16, #tpu.memory_space<vmem>>
        %dma_wait3A_599 = tpu.memref_squeeze %dma_wait3A_598 : memref<1x80x256xbf16, #tpu.memory_space<vmem>> -> memref<80x256xbf16, #tpu.memory_space<vmem>>
        %dma_wait3A_600 = arith.constant 0 : i32
        %dma_wait3A_601 = tpu.memref_slice %arg7[%select_n3A_579, %dma_wait3A_600] : memref<4x80xi32, #tpu.memory_space<vmem>> -> memref<1x80xi32, #tpu.memory_space<vmem>>
        %dma_wait3A_602 = tpu.memref_squeeze %dma_wait3A_601 : memref<1x80xi32, #tpu.memory_space<vmem>> -> memref<80xi32, #tpu.memory_space<vmem>>
        %dma_wait3A_603 = arith.constant 0 : i32
        %dma_wait3A_604 = arith.constant 0 : i32
        %dma_wait3A_605 = tpu.memref_slice %arg10[%dma_wait3A_603, %dma_wait3A_604] : memref<10240x256xbf16, #tpu.memory_space<vmem_shared>> -> memref<10240x256xbf16, #tpu.memory_space<vmem_shared>>
        %dma_wait3A_606 = tpu.memref_slice %arg14[%select_n3A_595] : memref<3x!tpu.dma_semaphore, #tpu.memory_space<semaphore_mem>> -> memref<1x!tpu.dma_semaphore, #tpu.memory_space<semaphore_mem>>
        %dma_wait3A_607 = tpu.memref_squeeze %dma_wait3A_606 : memref<1x!tpu.dma_semaphore, #tpu.memory_space<semaphore_mem>> -> memref<!tpu.dma_semaphore, #tpu.memory_space<semaphore_mem>>
        tpu.wait_indirect_dma semaphore(%dma_wait3A_607 : memref<!tpu.dma_semaphore, #tpu.memory_space<semaphore_mem>>) src(%dma_wait3A_599 : memref<80x256xbf16, #tpu.memory_space<vmem>>) dst(%dma_wait3A_605 : memref<10240x256xbf16, #tpu.memory_space<vmem_shared>>)
        %jit3A_608 = arith.constant 4 : i32
        %eq3A_609 = arith.constant 0 : i32
        %eq3A_610 = arith.cmpi eq, %jit3A_608, %eq3A_609 : i32
        %jit3A_611 = arith.constant 1 : i32
        %select_n3A_612 = arith.select %eq3A_610, %jit3A_611, %jit3A_608 : i32
        %rem3A_613 = arith.remsi %sub3A_547, %select_n3A_612 : i32
        %ne3A_614 = arith.constant 0 : i32
        %ne3A_615 = arith.cmpi ne, %rem3A_613, %ne3A_614 : i32
        %lt3A_616 = arith.constant 0 : i32
        %lt3A_617 = arith.cmpi slt, %rem3A_613, %lt3A_616 : i32
        %lt3A_618 = arith.constant 0 : i32
        %lt3A_619 = arith.cmpi slt, %select_n3A_612, %lt3A_618 : i32
        %ne3A_620 = arith.xori %lt3A_617, %lt3A_619 : i1
        %and3A_621 = arith.andi %ne3A_620, %ne3A_615 : i1
        %add3A_622 = arith.addi %rem3A_613, %select_n3A_612 : i32
        %select_n3A_623 = arith.select %and3A_621, %add3A_622, %rem3A_613 : i32
        %jit3A_624 = arith.constant 3 : i32
        %eq3A_625 = arith.constant 0 : i32
        %eq3A_626 = arith.cmpi eq, %jit3A_624, %eq3A_625 : i32
        %jit3A_627 = arith.constant 1 : i32
        %select_n3A_628 = arith.select %eq3A_626, %jit3A_627, %jit3A_624 : i32
        %rem3A_629 = arith.remsi %sub3A_547, %select_n3A_628 : i32
        %ne3A_630 = arith.constant 0 : i32
        %ne3A_631 = arith.cmpi ne, %rem3A_629, %ne3A_630 : i32
        %lt3A_632 = arith.constant 0 : i32
        %lt3A_633 = arith.cmpi slt, %rem3A_629, %lt3A_632 : i32
        %lt3A_634 = arith.constant 0 : i32
        %lt3A_635 = arith.cmpi slt, %select_n3A_628, %lt3A_634 : i32
        %ne3A_636 = arith.xori %lt3A_633, %lt3A_635 : i1
        %and3A_637 = arith.andi %ne3A_636, %ne3A_631 : i1
        %add3A_638 = arith.addi %rem3A_629, %select_n3A_628 : i32
        %select_n3A_639 = arith.select %and3A_637, %add3A_638, %rem3A_629 : i32
        %dma_wait3A_640 = arith.constant 0 : i32
        %dma_wait3A_641 = tpu.memref_slice %arg7[%select_n3A_623, %dma_wait3A_640] : memref<4x80xi32, #tpu.memory_space<vmem>> -> memref<1x80xi32, #tpu.memory_space<vmem>>
        %dma_wait3A_642 = tpu.memref_squeeze %dma_wait3A_641 : memref<1x80xi32, #tpu.memory_space<vmem>> -> memref<80xi32, #tpu.memory_space<vmem>>
        %dma_wait3A_643 = arith.constant 0 : i32
        %dma_wait3A_644 = arith.constant 0 : i32
        %dma_wait3A_645 = tpu.memref_slice %arg11[%dma_wait3A_643, %dma_wait3A_644] : memref<10240x16xf32, #tpu.memory_space<vmem_shared>> -> memref<10240x16xf32, #tpu.memory_space<vmem_shared>>
        %dma_wait3A_646 = tpu.memref_slice %arg14[%select_n3A_639] : memref<3x!tpu.dma_semaphore, #tpu.memory_space<semaphore_mem>> -> memref<1x!tpu.dma_semaphore, #tpu.memory_space<semaphore_mem>>
        %dma_wait3A_647 = tpu.memref_squeeze %dma_wait3A_646 : memref<1x!tpu.dma_semaphore, #tpu.memory_space<semaphore_mem>> -> memref<!tpu.dma_semaphore, #tpu.memory_space<semaphore_mem>>
        tpu.wait_indirect_dma semaphore(%dma_wait3A_647 : memref<!tpu.dma_semaphore, #tpu.memory_space<semaphore_mem>>) src(%arg9 : memref<80x16xf32, #tpu.memory_space<vmem>>) dst(%dma_wait3A_645 : memref<10240x16xf32, #tpu.memory_space<vmem_shared>>)
      } else {
      }
      %add3A_434 = arith.constant 2 : i32
      %add3A_435 = arith.addi %while3A_371, %add3A_434 : i32
      %lt3A_436 = arith.cmpi slt, %add3A_435, %sub3A_0 : i32
      %convert_element_type3A_437 = arith.extui %lt3A_436 : i1 to i32
      %cond3A_438 = arith.constant 0 : i32
      %cond3A_439 = arith.cmpi ne, %convert_element_type3A_437, %cond3A_438 : i32
      scf.if %cond3A_439 {
        %add3A_546 = arith.constant 2 : i32
        %add3A_547 = arith.addi %while3A_371, %add3A_546 : i32
        %mul3A_548 = arith.constant 2 : i32
        %mul3A_549 = arith.muli %mul3A_548, %add3A_547 : i32
        %add3A_550 = arith.addi %mul3A_549, %arg0 : i32
        %jit3A_551 = arith.constant 4 : i32
        %eq3A_552 = arith.constant 0 : i32
        %eq3A_553 = arith.cmpi eq, %jit3A_551, %eq3A_552 : i32
        %jit3A_554 = arith.constant 1 : i32
        %select_n3A_555 = arith.select %eq3A_553, %jit3A_554, %jit3A_551 : i32
        %rem3A_556 = arith.remsi %add3A_547, %select_n3A_555 : i32
        %ne3A_557 = arith.constant 0 : i32
        %ne3A_558 = arith.cmpi ne, %rem3A_556, %ne3A_557 : i32
        %lt3A_559 = arith.constant 0 : i32
        %lt3A_560 = arith.cmpi slt, %rem3A_556, %lt3A_559 : i32
        %lt3A_561 = arith.constant 0 : i32
        %lt3A_562 = arith.cmpi slt, %select_n3A_555, %lt3A_561 : i32
        %ne3A_563 = arith.xori %lt3A_560, %lt3A_562 : i1
        %and3A_564 = arith.andi %ne3A_563, %ne3A_558 : i1
        %add3A_565 = arith.addi %rem3A_556, %select_n3A_555 : i32
        %select_n3A_566 = arith.select %and3A_564, %add3A_565, %rem3A_556 : i32
        %jit3A_567 = arith.constant 4 : i32
        %eq3A_568 = arith.constant 0 : i32
        %eq3A_569 = arith.cmpi eq, %jit3A_567, %eq3A_568 : i32
        %jit3A_570 = arith.constant 1 : i32
        %select_n3A_571 = arith.select %eq3A_569, %jit3A_570, %jit3A_567 : i32
        %rem3A_572 = arith.remsi %add3A_547, %select_n3A_571 : i32
        %ne3A_573 = arith.constant 0 : i32
        %ne3A_574 = arith.cmpi ne, %rem3A_572, %ne3A_573 : i32
        %lt3A_575 = arith.constant 0 : i32
        %lt3A_576 = arith.cmpi slt, %rem3A_572, %lt3A_575 : i32
        %lt3A_577 = arith.constant 0 : i32
        %lt3A_578 = arith.cmpi slt, %select_n3A_571, %lt3A_577 : i32
        %ne3A_579 = arith.xori %lt3A_576, %lt3A_578 : i1
        %and3A_580 = arith.andi %ne3A_579, %ne3A_574 : i1
        %add3A_581 = arith.addi %rem3A_572, %select_n3A_571 : i32
        %select_n3A_582 = arith.select %and3A_580, %add3A_581, %rem3A_572 : i32
        %dma_start3A_583 = arith.constant 0 : i32
        %dma_start3A_584 = arith.constant 0 : i32
        %dma_start3A_585 = tpu.memref_slice %arg6[%select_n3A_566, %dma_start3A_584] : memref<4x80xi32, #tpu.memory_space<vmem>> -> memref<1x80xi32, #tpu.memory_space<vmem>>
        %dma_start3A_586 = tpu.memref_squeeze %dma_start3A_585 : memref<1x80xi32, #tpu.memory_space<vmem>> -> memref<80xi32, #tpu.memory_space<vmem>>
        %dma_start3A_587 = arith.constant 0 : i32
        %dma_start3A_588 = tpu.memref_slice %arg3[%dma_start3A_583, %arg1, %add3A_550, %dma_start3A_587] : memref<2x16x125x80xi32, #tpu.memory_space<hbm>> -> memref<1x1x1x80xi32, #tpu.memory_space<hbm>>
        %dma_start3A_589 = tpu.memref_squeeze %dma_start3A_588 : memref<1x1x1x80xi32, #tpu.memory_space<hbm>> -> memref<80xi32, #tpu.memory_space<hbm>>
        %dma_start3A_590 = tpu.memref_slice %arg12[%select_n3A_582] : memref<4x!tpu.dma_semaphore, #tpu.memory_space<semaphore_mem>> -> memref<1x!tpu.dma_semaphore, #tpu.memory_space<semaphore_mem>>
        %dma_start3A_591 = tpu.memref_squeeze %dma_start3A_590 : memref<1x!tpu.dma_semaphore, #tpu.memory_space<semaphore_mem>> -> memref<!tpu.dma_semaphore, #tpu.memory_space<semaphore_mem>>
        %dma_start3A_592 = arith.constant 0 : i32
        %dma_start3A_593 = tpu.memref_slice %arg6[%select_n3A_566, %dma_start3A_592] : memref<4x80xi32, #tpu.memory_space<vmem>> -> memref<1x80xi32, #tpu.memory_space<vmem>>
        %dma_start3A_594 = tpu.memref_squeeze %dma_start3A_593 : memref<1x80xi32, #tpu.memory_space<vmem>> -> memref<80xi32, #tpu.memory_space<vmem>>
        %dma_start3A_595 = arith.constant 0 : i32
        %dma_start3A_596 = tpu.memref_slice %arg3[%dma_start3A_583, %arg1, %add3A_550, %dma_start3A_595] : memref<2x16x125x80xi32, #tpu.memory_space<hbm>> -> memref<1x1x1x80xi32, #tpu.memory_space<hbm>>
        %dma_start3A_597 = tpu.memref_squeeze %dma_start3A_596 : memref<1x1x1x80xi32, #tpu.memory_space<hbm>> -> memref<80xi32, #tpu.memory_space<hbm>>
        tpu.enqueue_dma source(%dma_start3A_597 : memref<80xi32, #tpu.memory_space<hbm>>) target(%dma_start3A_594 : memref<80xi32, #tpu.memory_space<vmem>>) target_semaphore(%dma_start3A_591 : memref<!tpu.dma_semaphore, #tpu.memory_space<semaphore_mem>>)
        %jit3A_598 = arith.constant 4 : i32
        %eq3A_599 = arith.constant 0 : i32
        %eq3A_600 = arith.cmpi eq, %jit3A_598, %eq3A_599 : i32
        %jit3A_601 = arith.constant 1 : i32
        %select_n3A_602 = arith.select %eq3A_600, %jit3A_601, %jit3A_598 : i32
        %rem3A_603 = arith.remsi %add3A_547, %select_n3A_602 : i32
        %ne3A_604 = arith.constant 0 : i32
        %ne3A_605 = arith.cmpi ne, %rem3A_603, %ne3A_604 : i32
        %lt3A_606 = arith.constant 0 : i32
        %lt3A_607 = arith.cmpi slt, %rem3A_603, %lt3A_606 : i32
        %lt3A_608 = arith.constant 0 : i32
        %lt3A_609 = arith.cmpi slt, %select_n3A_602, %lt3A_608 : i32
        %ne3A_610 = arith.xori %lt3A_607, %lt3A_609 : i1
        %and3A_611 = arith.andi %ne3A_610, %ne3A_605 : i1
        %add3A_612 = arith.addi %rem3A_603, %select_n3A_602 : i32
        %select_n3A_613 = arith.select %and3A_611, %add3A_612, %rem3A_603 : i32
        %jit3A_614 = arith.constant 4 : i32
        %eq3A_615 = arith.constant 0 : i32
        %eq3A_616 = arith.cmpi eq, %jit3A_614, %eq3A_615 : i32
        %jit3A_617 = arith.constant 1 : i32
        %select_n3A_618 = arith.select %eq3A_616, %jit3A_617, %jit3A_614 : i32
        %rem3A_619 = arith.remsi %add3A_547, %select_n3A_618 : i32
        %ne3A_620 = arith.constant 0 : i32
        %ne3A_621 = arith.cmpi ne, %rem3A_619, %ne3A_620 : i32
        %lt3A_622 = arith.constant 0 : i32
        %lt3A_623 = arith.cmpi slt, %rem3A_619, %lt3A_622 : i32
        %lt3A_624 = arith.constant 0 : i32
        %lt3A_625 = arith.cmpi slt, %select_n3A_618, %lt3A_624 : i32
        %ne3A_626 = arith.xori %lt3A_623, %lt3A_625 : i1
        %and3A_627 = arith.andi %ne3A_626, %ne3A_621 : i1
        %add3A_628 = arith.addi %rem3A_619, %select_n3A_618 : i32
        %select_n3A_629 = arith.select %and3A_627, %add3A_628, %rem3A_619 : i32
        %dma_start3A_630 = arith.constant 1 : i32
        %dma_start3A_631 = arith.constant 0 : i32
        %dma_start3A_632 = tpu.memref_slice %arg7[%select_n3A_613, %dma_start3A_631] : memref<4x80xi32, #tpu.memory_space<vmem>> -> memref<1x80xi32, #tpu.memory_space<vmem>>
        %dma_start3A_633 = tpu.memref_squeeze %dma_start3A_632 : memref<1x80xi32, #tpu.memory_space<vmem>> -> memref<80xi32, #tpu.memory_space<vmem>>
        %dma_start3A_634 = arith.constant 0 : i32
        %dma_start3A_635 = tpu.memref_slice %arg3[%dma_start3A_630, %arg1, %add3A_550, %dma_start3A_634] : memref<2x16x125x80xi32, #tpu.memory_space<hbm>> -> memref<1x1x1x80xi32, #tpu.memory_space<hbm>>
        %dma_start3A_636 = tpu.memref_squeeze %dma_start3A_635 : memref<1x1x1x80xi32, #tpu.memory_space<hbm>> -> memref<80xi32, #tpu.memory_space<hbm>>
        %dma_start3A_637 = tpu.memref_slice %arg12[%select_n3A_629] : memref<4x!tpu.dma_semaphore, #tpu.memory_space<semaphore_mem>> -> memref<1x!tpu.dma_semaphore, #tpu.memory_space<semaphore_mem>>
        %dma_start3A_638 = tpu.memref_squeeze %dma_start3A_637 : memref<1x!tpu.dma_semaphore, #tpu.memory_space<semaphore_mem>> -> memref<!tpu.dma_semaphore, #tpu.memory_space<semaphore_mem>>
        %dma_start3A_639 = arith.constant 0 : i32
        %dma_start3A_640 = tpu.memref_slice %arg7[%select_n3A_613, %dma_start3A_639] : memref<4x80xi32, #tpu.memory_space<vmem>> -> memref<1x80xi32, #tpu.memory_space<vmem>>
        %dma_start3A_641 = tpu.memref_squeeze %dma_start3A_640 : memref<1x80xi32, #tpu.memory_space<vmem>> -> memref<80xi32, #tpu.memory_space<vmem>>
        %dma_start3A_642 = arith.constant 0 : i32
        %dma_start3A_643 = tpu.memref_slice %arg3[%dma_start3A_630, %arg1, %add3A_550, %dma_start3A_642] : memref<2x16x125x80xi32, #tpu.memory_space<hbm>> -> memref<1x1x1x80xi32, #tpu.memory_space<hbm>>
        %dma_start3A_644 = tpu.memref_squeeze %dma_start3A_643 : memref<1x1x1x80xi32, #tpu.memory_space<hbm>> -> memref<80xi32, #tpu.memory_space<hbm>>
        tpu.enqueue_dma source(%dma_start3A_644 : memref<80xi32, #tpu.memory_space<hbm>>) target(%dma_start3A_641 : memref<80xi32, #tpu.memory_space<vmem>>) target_semaphore(%dma_start3A_638 : memref<!tpu.dma_semaphore, #tpu.memory_space<semaphore_mem>>)
      } else {
      }
      %add3A_440 = arith.constant 1 : i32
      %add3A_441 = arith.addi %while3A_371, %add3A_440 : i32
      %lt3A_442 = arith.cmpi slt, %add3A_441, %sub3A_0 : i32
      %convert_element_type3A_443 = arith.extui %lt3A_442 : i1 to i32
      %cond3A_444 = arith.constant 0 : i32
      %cond3A_445 = arith.cmpi ne, %convert_element_type3A_443, %cond3A_444 : i32
      scf.if %cond3A_445 {
        %add3A_546 = arith.constant 1 : i32
        %add3A_547 = arith.addi %while3A_371, %add3A_546 : i32
        %mul3A_548 = arith.constant 2 : i32
        %mul3A_549 = arith.muli %mul3A_548, %add3A_547 : i32
        %add3A_550 = arith.addi %mul3A_549, %arg0 : i32
        %jit3A_551 = arith.constant 4 : i32
        %eq3A_552 = arith.constant 0 : i32
        %eq3A_553 = arith.cmpi eq, %jit3A_551, %eq3A_552 : i32
        %jit3A_554 = arith.constant 1 : i32
        %select_n3A_555 = arith.select %eq3A_553, %jit3A_554, %jit3A_551 : i32
        %rem3A_556 = arith.remsi %add3A_547, %select_n3A_555 : i32
        %ne3A_557 = arith.constant 0 : i32
        %ne3A_558 = arith.cmpi ne, %rem3A_556, %ne3A_557 : i32
        %lt3A_559 = arith.constant 0 : i32
        %lt3A_560 = arith.cmpi slt, %rem3A_556, %lt3A_559 : i32
        %lt3A_561 = arith.constant 0 : i32
        %lt3A_562 = arith.cmpi slt, %select_n3A_555, %lt3A_561 : i32
        %ne3A_563 = arith.xori %lt3A_560, %lt3A_562 : i1
        %and3A_564 = arith.andi %ne3A_563, %ne3A_558 : i1
        %add3A_565 = arith.addi %rem3A_556, %select_n3A_555 : i32
        %select_n3A_566 = arith.select %and3A_564, %add3A_565, %rem3A_556 : i32
        %jit3A_567 = arith.constant 4 : i32
        %eq3A_568 = arith.constant 0 : i32
        %eq3A_569 = arith.cmpi eq, %jit3A_567, %eq3A_568 : i32
        %jit3A_570 = arith.constant 1 : i32
        %select_n3A_571 = arith.select %eq3A_569, %jit3A_570, %jit3A_567 : i32
        %rem3A_572 = arith.remsi %add3A_547, %select_n3A_571 : i32
        %ne3A_573 = arith.constant 0 : i32
        %ne3A_574 = arith.cmpi ne, %rem3A_572, %ne3A_573 : i32
        %lt3A_575 = arith.constant 0 : i32
        %lt3A_576 = arith.cmpi slt, %rem3A_572, %lt3A_575 : i32
        %lt3A_577 = arith.constant 0 : i32
        %lt3A_578 = arith.cmpi slt, %select_n3A_571, %lt3A_577 : i32
        %ne3A_579 = arith.xori %lt3A_576, %lt3A_578 : i1
        %and3A_580 = arith.andi %ne3A_579, %ne3A_574 : i1
        %add3A_581 = arith.addi %rem3A_572, %select_n3A_571 : i32
        %select_n3A_582 = arith.select %and3A_580, %add3A_581, %rem3A_572 : i32
        %dma_wait3A_583 = arith.constant 0 : i32
        %dma_wait3A_584 = arith.constant 0 : i32
        %dma_wait3A_585 = tpu.memref_slice %arg6[%select_n3A_566, %dma_wait3A_584] : memref<4x80xi32, #tpu.memory_space<vmem>> -> memref<1x80xi32, #tpu.memory_space<vmem>>
        %dma_wait3A_586 = tpu.memref_squeeze %dma_wait3A_585 : memref<1x80xi32, #tpu.memory_space<vmem>> -> memref<80xi32, #tpu.memory_space<vmem>>
        %dma_wait3A_587 = arith.constant 0 : i32
        %dma_wait3A_588 = tpu.memref_slice %arg3[%dma_wait3A_583, %arg1, %add3A_550, %dma_wait3A_587] : memref<2x16x125x80xi32, #tpu.memory_space<hbm>> -> memref<1x1x1x80xi32, #tpu.memory_space<hbm>>
        %dma_wait3A_589 = tpu.memref_squeeze %dma_wait3A_588 : memref<1x1x1x80xi32, #tpu.memory_space<hbm>> -> memref<80xi32, #tpu.memory_space<hbm>>
        %dma_wait3A_590 = tpu.memref_slice %arg12[%select_n3A_582] : memref<4x!tpu.dma_semaphore, #tpu.memory_space<semaphore_mem>> -> memref<1x!tpu.dma_semaphore, #tpu.memory_space<semaphore_mem>>
        %dma_wait3A_591 = tpu.memref_squeeze %dma_wait3A_590 : memref<1x!tpu.dma_semaphore, #tpu.memory_space<semaphore_mem>> -> memref<!tpu.dma_semaphore, #tpu.memory_space<semaphore_mem>>
        %dma_wait3A_592 = arith.constant 0 : i32
        %dma_wait3A_593 = tpu.memref_slice %arg6[%select_n3A_566, %dma_wait3A_592] : memref<4x80xi32, #tpu.memory_space<vmem>> -> memref<1x80xi32, #tpu.memory_space<vmem>>
        %dma_wait3A_594 = tpu.memref_squeeze %dma_wait3A_593 : memref<1x80xi32, #tpu.memory_space<vmem>> -> memref<80xi32, #tpu.memory_space<vmem>>
        %dma_wait3A_595 = arith.constant 0 : i32
        %dma_wait3A_596 = tpu.memref_slice %arg3[%dma_wait3A_583, %arg1, %add3A_550, %dma_wait3A_595] : memref<2x16x125x80xi32, #tpu.memory_space<hbm>> -> memref<1x1x1x80xi32, #tpu.memory_space<hbm>>
        %dma_wait3A_597 = tpu.memref_squeeze %dma_wait3A_596 : memref<1x1x1x80xi32, #tpu.memory_space<hbm>> -> memref<80xi32, #tpu.memory_space<hbm>>
        tpu.wait_dma2 semaphore(%dma_wait3A_591 : memref<!tpu.dma_semaphore, #tpu.memory_space<semaphore_mem>>) src(%dma_wait3A_597 : memref<80xi32, #tpu.memory_space<hbm>>) dst(%dma_wait3A_594 : memref<80xi32, #tpu.memory_space<vmem>>)
        %jit3A_598 = arith.constant 4 : i32
        %eq3A_599 = arith.constant 0 : i32
        %eq3A_600 = arith.cmpi eq, %jit3A_598, %eq3A_599 : i32
        %jit3A_601 = arith.constant 1 : i32
        %select_n3A_602 = arith.select %eq3A_600, %jit3A_601, %jit3A_598 : i32
        %rem3A_603 = arith.remsi %add3A_547, %select_n3A_602 : i32
        %ne3A_604 = arith.constant 0 : i32
        %ne3A_605 = arith.cmpi ne, %rem3A_603, %ne3A_604 : i32
        %lt3A_606 = arith.constant 0 : i32
        %lt3A_607 = arith.cmpi slt, %rem3A_603, %lt3A_606 : i32
        %lt3A_608 = arith.constant 0 : i32
        %lt3A_609 = arith.cmpi slt, %select_n3A_602, %lt3A_608 : i32
        %ne3A_610 = arith.xori %lt3A_607, %lt3A_609 : i1
        %and3A_611 = arith.andi %ne3A_610, %ne3A_605 : i1
        %add3A_612 = arith.addi %rem3A_603, %select_n3A_602 : i32
        %select_n3A_613 = arith.select %and3A_611, %add3A_612, %rem3A_603 : i32
        %jit3A_614 = arith.constant 4 : i32
        %eq3A_615 = arith.constant 0 : i32
        %eq3A_616 = arith.cmpi eq, %jit3A_614, %eq3A_615 : i32
        %jit3A_617 = arith.constant 1 : i32
        %select_n3A_618 = arith.select %eq3A_616, %jit3A_617, %jit3A_614 : i32
        %rem3A_619 = arith.remsi %add3A_547, %select_n3A_618 : i32
        %ne3A_620 = arith.constant 0 : i32
        %ne3A_621 = arith.cmpi ne, %rem3A_619, %ne3A_620 : i32
        %lt3A_622 = arith.constant 0 : i32
        %lt3A_623 = arith.cmpi slt, %rem3A_619, %lt3A_622 : i32
        %lt3A_624 = arith.constant 0 : i32
        %lt3A_625 = arith.cmpi slt, %select_n3A_618, %lt3A_624 : i32
        %ne3A_626 = arith.xori %lt3A_623, %lt3A_625 : i1
        %and3A_627 = arith.andi %ne3A_626, %ne3A_621 : i1
        %add3A_628 = arith.addi %rem3A_619, %select_n3A_618 : i32
        %select_n3A_629 = arith.select %and3A_627, %add3A_628, %rem3A_619 : i32
        %dma_wait3A_630 = arith.constant 1 : i32
        %dma_wait3A_631 = arith.constant 0 : i32
        %dma_wait3A_632 = tpu.memref_slice %arg7[%select_n3A_613, %dma_wait3A_631] : memref<4x80xi32, #tpu.memory_space<vmem>> -> memref<1x80xi32, #tpu.memory_space<vmem>>
        %dma_wait3A_633 = tpu.memref_squeeze %dma_wait3A_632 : memref<1x80xi32, #tpu.memory_space<vmem>> -> memref<80xi32, #tpu.memory_space<vmem>>
        %dma_wait3A_634 = arith.constant 0 : i32
        %dma_wait3A_635 = tpu.memref_slice %arg3[%dma_wait3A_630, %arg1, %add3A_550, %dma_wait3A_634] : memref<2x16x125x80xi32, #tpu.memory_space<hbm>> -> memref<1x1x1x80xi32, #tpu.memory_space<hbm>>
        %dma_wait3A_636 = tpu.memref_squeeze %dma_wait3A_635 : memref<1x1x1x80xi32, #tpu.memory_space<hbm>> -> memref<80xi32, #tpu.memory_space<hbm>>
        %dma_wait3A_637 = tpu.memref_slice %arg12[%select_n3A_629] : memref<4x!tpu.dma_semaphore, #tpu.memory_space<semaphore_mem>> -> memref<1x!tpu.dma_semaphore, #tpu.memory_space<semaphore_mem>>
        %dma_wait3A_638 = tpu.memref_squeeze %dma_wait3A_637 : memref<1x!tpu.dma_semaphore, #tpu.memory_space<semaphore_mem>> -> memref<!tpu.dma_semaphore, #tpu.memory_space<semaphore_mem>>
        %dma_wait3A_639 = arith.constant 0 : i32
        %dma_wait3A_640 = tpu.memref_slice %arg7[%select_n3A_613, %dma_wait3A_639] : memref<4x80xi32, #tpu.memory_space<vmem>> -> memref<1x80xi32, #tpu.memory_space<vmem>>
        %dma_wait3A_641 = tpu.memref_squeeze %dma_wait3A_640 : memref<1x80xi32, #tpu.memory_space<vmem>> -> memref<80xi32, #tpu.memory_space<vmem>>
        %dma_wait3A_642 = arith.constant 0 : i32
        %dma_wait3A_643 = tpu.memref_slice %arg3[%dma_wait3A_630, %arg1, %add3A_550, %dma_wait3A_642] : memref<2x16x125x80xi32, #tpu.memory_space<hbm>> -> memref<1x1x1x80xi32, #tpu.memory_space<hbm>>
        %dma_wait3A_644 = tpu.memref_squeeze %dma_wait3A_643 : memref<1x1x1x80xi32, #tpu.memory_space<hbm>> -> memref<80xi32, #tpu.memory_space<hbm>>
        tpu.wait_dma2 semaphore(%dma_wait3A_638 : memref<!tpu.dma_semaphore, #tpu.memory_space<semaphore_mem>>) src(%dma_wait3A_644 : memref<80xi32, #tpu.memory_space<hbm>>) dst(%dma_wait3A_641 : memref<80xi32, #tpu.memory_space<vmem>>)
        %add3A_645 = arith.constant 1 : i32
        %add3A_646 = arith.addi %while3A_371, %add3A_645 : i32
        %jit3A_647 = arith.constant 4 : i32
        %eq3A_648 = arith.constant 0 : i32
        %eq3A_649 = arith.cmpi eq, %jit3A_647, %eq3A_648 : i32
        %jit3A_650 = arith.constant 1 : i32
        %select_n3A_651 = arith.select %eq3A_649, %jit3A_650, %jit3A_647 : i32
        %rem3A_652 = arith.remsi %add3A_646, %select_n3A_651 : i32
        %ne3A_653 = arith.constant 0 : i32
        %ne3A_654 = arith.cmpi ne, %rem3A_652, %ne3A_653 : i32
        %lt3A_655 = arith.constant 0 : i32
        %lt3A_656 = arith.cmpi slt, %rem3A_652, %lt3A_655 : i32
        %lt3A_657 = arith.constant 0 : i32
        %lt3A_658 = arith.cmpi slt, %select_n3A_651, %lt3A_657 : i32
        %ne3A_659 = arith.xori %lt3A_656, %lt3A_658 : i1
        %and3A_660 = arith.andi %ne3A_659, %ne3A_654 : i1
        %add3A_661 = arith.addi %rem3A_652, %select_n3A_651 : i32
        %select_n3A_662 = arith.select %and3A_660, %add3A_661, %rem3A_652 : i32
        %jit3A_663 = arith.constant 3 : i32
        %eq3A_664 = arith.constant 0 : i32
        %eq3A_665 = arith.cmpi eq, %jit3A_663, %eq3A_664 : i32
        %jit3A_666 = arith.constant 1 : i32
        %select_n3A_667 = arith.select %eq3A_665, %jit3A_666, %jit3A_663 : i32
        %rem3A_668 = arith.remsi %add3A_646, %select_n3A_667 : i32
        %ne3A_669 = arith.constant 0 : i32
        %ne3A_670 = arith.cmpi ne, %rem3A_668, %ne3A_669 : i32
        %lt3A_671 = arith.constant 0 : i32
        %lt3A_672 = arith.cmpi slt, %rem3A_668, %lt3A_671 : i32
        %lt3A_673 = arith.constant 0 : i32
        %lt3A_674 = arith.cmpi slt, %select_n3A_667, %lt3A_673 : i32
        %ne3A_675 = arith.xori %lt3A_672, %lt3A_674 : i1
        %and3A_676 = arith.andi %ne3A_675, %ne3A_670 : i1
        %add3A_677 = arith.addi %rem3A_668, %select_n3A_667 : i32
        %select_n3A_678 = arith.select %and3A_676, %add3A_677, %rem3A_668 : i32
        %jit3A_679 = arith.constant 3 : i32
        %eq3A_680 = arith.constant 0 : i32
        %eq3A_681 = arith.cmpi eq, %jit3A_679, %eq3A_680 : i32
        %jit3A_682 = arith.constant 1 : i32
        %select_n3A_683 = arith.select %eq3A_681, %jit3A_682, %jit3A_679 : i32
        %rem3A_684 = arith.remsi %add3A_646, %select_n3A_683 : i32
        %ne3A_685 = arith.constant 0 : i32
        %ne3A_686 = arith.cmpi ne, %rem3A_684, %ne3A_685 : i32
        %lt3A_687 = arith.constant 0 : i32
        %lt3A_688 = arith.cmpi slt, %rem3A_684, %lt3A_687 : i32
        %lt3A_689 = arith.constant 0 : i32
        %lt3A_690 = arith.cmpi slt, %select_n3A_683, %lt3A_689 : i32
        %ne3A_691 = arith.xori %lt3A_688, %lt3A_690 : i1
        %and3A_692 = arith.andi %ne3A_691, %ne3A_686 : i1
        %add3A_693 = arith.addi %rem3A_684, %select_n3A_683 : i32
        %select_n3A_694 = arith.select %and3A_692, %add3A_693, %rem3A_684 : i32
        %dma_start3A_695 = arith.constant 0 : i32
        %dma_start3A_696 = arith.constant 0 : i32
        %dma_start3A_697 = tpu.memref_slice %arg8[%select_n3A_678, %dma_start3A_695, %dma_start3A_696] : memref<3x80x256xbf16, #tpu.memory_space<vmem>> -> memref<1x80x256xbf16, #tpu.memory_space<vmem>>
        %dma_start3A_698 = tpu.memref_squeeze %dma_start3A_697 : memref<1x80x256xbf16, #tpu.memory_space<vmem>> -> memref<80x256xbf16, #tpu.memory_space<vmem>>
        %dma_start3A_699 = arith.constant 0 : i32
        %dma_start3A_700 = tpu.memref_slice %arg6[%select_n3A_662, %dma_start3A_699] : memref<4x80xi32, #tpu.memory_space<vmem>> -> memref<1x80xi32, #tpu.memory_space<vmem>>
        %dma_start3A_701 = tpu.memref_squeeze %dma_start3A_700 : memref<1x80xi32, #tpu.memory_space<vmem>> -> memref<80xi32, #tpu.memory_space<vmem>>
        %dma_start3A_702 = arith.constant 0 : i32
        %dma_start3A_703 = arith.constant 0 : i32
        %dma_start3A_704 = tpu.memref_slice %arg2[%dma_start3A_702, %dma_start3A_703] : memref<10000x256xbf16, #tpu.memory_space<hbm>> -> memref<10000x256xbf16, #tpu.memory_space<hbm>>
        %dma_start3A_705 = tpu.memref_slice %arg13[%select_n3A_694] : memref<3x!tpu.dma_semaphore, #tpu.memory_space<semaphore_mem>> -> memref<1x!tpu.dma_semaphore, #tpu.memory_space<semaphore_mem>>
        %dma_start3A_706 = tpu.memref_squeeze %dma_start3A_705 : memref<1x!tpu.dma_semaphore, #tpu.memory_space<semaphore_mem>> -> memref<!tpu.dma_semaphore, #tpu.memory_space<semaphore_mem>>
        tpu.enqueue_indirect_dma source(%dma_start3A_704 : memref<10000x256xbf16, #tpu.memory_space<hbm>>) target(%dma_start3A_698 : memref<80x256xbf16, #tpu.memory_space<vmem>>) offsets(%dma_start3A_701 : memref<80xi32, #tpu.memory_space<vmem>>) semaphore(%dma_start3A_706 : memref<!tpu.dma_semaphore, #tpu.memory_space<semaphore_mem>>)
      } else {
      }
      %jit3A_446 = arith.constant 3 : i32
      %eq3A_447 = arith.constant 0 : i32
      %eq3A_448 = arith.cmpi eq, %jit3A_446, %eq3A_447 : i32
      %jit3A_449 = arith.constant 1 : i32
      %select_n3A_450 = arith.select %eq3A_448, %jit3A_449, %jit3A_446 : i32
      %rem3A_451 = arith.remsi %while3A_371, %select_n3A_450 : i32
      %ne3A_452 = arith.constant 0 : i32
      %ne3A_453 = arith.cmpi ne, %rem3A_451, %ne3A_452 : i32
      %lt3A_454 = arith.constant 0 : i32
      %lt3A_455 = arith.cmpi slt, %rem3A_451, %lt3A_454 : i32
      %lt3A_456 = arith.constant 0 : i32
      %lt3A_457 = arith.cmpi slt, %select_n3A_450, %lt3A_456 : i32
      %ne3A_458 = arith.xori %lt3A_455, %lt3A_457 : i1
      %and3A_459 = arith.andi %ne3A_458, %ne3A_453 : i1
      %add3A_460 = arith.addi %rem3A_451, %select_n3A_450 : i32
      %select_n3A_461 = arith.select %and3A_459, %add3A_460, %rem3A_451 : i32
      %jit3A_462 = arith.constant 4 : i32
      %eq3A_463 = arith.constant 0 : i32
      %eq3A_464 = arith.cmpi eq, %jit3A_462, %eq3A_463 : i32
      %jit3A_465 = arith.constant 1 : i32
      %select_n3A_466 = arith.select %eq3A_464, %jit3A_465, %jit3A_462 : i32
      %rem3A_467 = arith.remsi %while3A_371, %select_n3A_466 : i32
      %ne3A_468 = arith.constant 0 : i32
      %ne3A_469 = arith.cmpi ne, %rem3A_467, %ne3A_468 : i32
      %lt3A_470 = arith.constant 0 : i32
      %lt3A_471 = arith.cmpi slt, %rem3A_467, %lt3A_470 : i32
      %lt3A_472 = arith.constant 0 : i32
      %lt3A_473 = arith.cmpi slt, %select_n3A_466, %lt3A_472 : i32
      %ne3A_474 = arith.xori %lt3A_471, %lt3A_473 : i1
      %and3A_475 = arith.andi %ne3A_474, %ne3A_469 : i1
      %add3A_476 = arith.addi %rem3A_467, %select_n3A_466 : i32
      %select_n3A_477 = arith.select %and3A_475, %add3A_476, %rem3A_467 : i32
      %jit3A_478 = arith.constant 3 : i32
      %eq3A_479 = arith.constant 0 : i32
      %eq3A_480 = arith.cmpi eq, %jit3A_478, %eq3A_479 : i32
      %jit3A_481 = arith.constant 1 : i32
      %select_n3A_482 = arith.select %eq3A_480, %jit3A_481, %jit3A_478 : i32
      %rem3A_483 = arith.remsi %while3A_371, %select_n3A_482 : i32
      %ne3A_484 = arith.constant 0 : i32
      %ne3A_485 = arith.cmpi ne, %rem3A_483, %ne3A_484 : i32
      %lt3A_486 = arith.constant 0 : i32
      %lt3A_487 = arith.cmpi slt, %rem3A_483, %lt3A_486 : i32
      %lt3A_488 = arith.constant 0 : i32
      %lt3A_489 = arith.cmpi slt, %select_n3A_482, %lt3A_488 : i32
      %ne3A_490 = arith.xori %lt3A_487, %lt3A_489 : i1
      %and3A_491 = arith.andi %ne3A_490, %ne3A_485 : i1
      %add3A_492 = arith.addi %rem3A_483, %select_n3A_482 : i32
      %select_n3A_493 = arith.select %and3A_491, %add3A_492, %rem3A_483 : i32
      %dma_start3A_494 = arith.constant 0 : i32
      %dma_start3A_495 = arith.constant 0 : i32
      %dma_start3A_496 = tpu.memref_slice %arg8[%select_n3A_461, %dma_start3A_494, %dma_start3A_495] : memref<3x80x256xbf16, #tpu.memory_space<vmem>> -> memref<1x80x256xbf16, #tpu.memory_space<vmem>>
      %dma_start3A_497 = tpu.memref_squeeze %dma_start3A_496 : memref<1x80x256xbf16, #tpu.memory_space<vmem>> -> memref<80x256xbf16, #tpu.memory_space<vmem>>
      %dma_start3A_498 = arith.constant 0 : i32
      %dma_start3A_499 = tpu.memref_slice %arg7[%select_n3A_477, %dma_start3A_498] : memref<4x80xi32, #tpu.memory_space<vmem>> -> memref<1x80xi32, #tpu.memory_space<vmem>>
      %dma_start3A_500 = tpu.memref_squeeze %dma_start3A_499 : memref<1x80xi32, #tpu.memory_space<vmem>> -> memref<80xi32, #tpu.memory_space<vmem>>
      %dma_start3A_501 = arith.constant 0 : i32
      %dma_start3A_502 = arith.constant 0 : i32
      %dma_start3A_503 = tpu.memref_slice %arg10[%dma_start3A_501, %dma_start3A_502] : memref<10240x256xbf16, #tpu.memory_space<vmem_shared>> -> memref<10240x256xbf16, #tpu.memory_space<vmem_shared>>
      %dma_start3A_504 = tpu.memref_slice %arg14[%select_n3A_493] : memref<3x!tpu.dma_semaphore, #tpu.memory_space<semaphore_mem>> -> memref<1x!tpu.dma_semaphore, #tpu.memory_space<semaphore_mem>>
      %dma_start3A_505 = tpu.memref_squeeze %dma_start3A_504 : memref<1x!tpu.dma_semaphore, #tpu.memory_space<semaphore_mem>> -> memref<!tpu.dma_semaphore, #tpu.memory_space<semaphore_mem>>
      tpu.enqueue_indirect_dma source(%dma_start3A_497 : memref<80x256xbf16, #tpu.memory_space<vmem>>) target(%dma_start3A_503 : memref<10240x256xbf16, #tpu.memory_space<vmem_shared>>) offsets(%dma_start3A_500 : memref<80xi32, #tpu.memory_space<vmem>>) semaphore(%dma_start3A_505 : memref<!tpu.dma_semaphore, #tpu.memory_space<semaphore_mem>>) {add = true}
      %jit3A_506 = arith.constant 4 : i32
      %eq3A_507 = arith.constant 0 : i32
      %eq3A_508 = arith.cmpi eq, %jit3A_506, %eq3A_507 : i32
      %jit3A_509 = arith.constant 1 : i32
      %select_n3A_510 = arith.select %eq3A_508, %jit3A_509, %jit3A_506 : i32
      %rem3A_511 = arith.remsi %while3A_371, %select_n3A_510 : i32
      %ne3A_512 = arith.constant 0 : i32
      %ne3A_513 = arith.cmpi ne, %rem3A_511, %ne3A_512 : i32
      %lt3A_514 = arith.constant 0 : i32
      %lt3A_515 = arith.cmpi slt, %rem3A_511, %lt3A_514 : i32
      %lt3A_516 = arith.constant 0 : i32
      %lt3A_517 = arith.cmpi slt, %select_n3A_510, %lt3A_516 : i32
      %ne3A_518 = arith.xori %lt3A_515, %lt3A_517 : i1
      %and3A_519 = arith.andi %ne3A_518, %ne3A_513 : i1
      %add3A_520 = arith.addi %rem3A_511, %select_n3A_510 : i32
      %select_n3A_521 = arith.select %and3A_519, %add3A_520, %rem3A_511 : i32
      %jit3A_522 = arith.constant 3 : i32
      %eq3A_523 = arith.constant 0 : i32
      %eq3A_524 = arith.cmpi eq, %jit3A_522, %eq3A_523 : i32
      %jit3A_525 = arith.constant 1 : i32
      %select_n3A_526 = arith.select %eq3A_524, %jit3A_525, %jit3A_522 : i32
      %rem3A_527 = arith.remsi %while3A_371, %select_n3A_526 : i32
      %ne3A_528 = arith.constant 0 : i32
      %ne3A_529 = arith.cmpi ne, %rem3A_527, %ne3A_528 : i32
      %lt3A_530 = arith.constant 0 : i32
      %lt3A_531 = arith.cmpi slt, %rem3A_527, %lt3A_530 : i32
      %lt3A_532 = arith.constant 0 : i32
      %lt3A_533 = arith.cmpi slt, %select_n3A_526, %lt3A_532 : i32
      %ne3A_534 = arith.xori %lt3A_531, %lt3A_533 : i1
      %and3A_535 = arith.andi %ne3A_534, %ne3A_529 : i1
      %add3A_536 = arith.addi %rem3A_527, %select_n3A_526 : i32
      %select_n3A_537 = arith.select %and3A_535, %add3A_536, %rem3A_527 : i32
      %dma_start3A_538 = arith.constant 0 : i32
      %dma_start3A_539 = tpu.memref_slice %arg7[%select_n3A_521, %dma_start3A_538] : memref<4x80xi32, #tpu.memory_space<vmem>> -> memref<1x80xi32, #tpu.memory_space<vmem>>
      %dma_start3A_540 = tpu.memref_squeeze %dma_start3A_539 : memref<1x80xi32, #tpu.memory_space<vmem>> -> memref<80xi32, #tpu.memory_space<vmem>>
      %dma_start3A_541 = arith.constant 0 : i32
      %dma_start3A_542 = arith.constant 0 : i32
      %dma_start3A_543 = tpu.memref_slice %arg11[%dma_start3A_541, %dma_start3A_542] : memref<10240x16xf32, #tpu.memory_space<vmem_shared>> -> memref<10240x16xf32, #tpu.memory_space<vmem_shared>>
      %dma_start3A_544 = tpu.memref_slice %arg14[%select_n3A_537] : memref<3x!tpu.dma_semaphore, #tpu.memory_space<semaphore_mem>> -> memref<1x!tpu.dma_semaphore, #tpu.memory_space<semaphore_mem>>
      %dma_start3A_545 = tpu.memref_squeeze %dma_start3A_544 : memref<1x!tpu.dma_semaphore, #tpu.memory_space<semaphore_mem>> -> memref<!tpu.dma_semaphore, #tpu.memory_space<semaphore_mem>>
      tpu.enqueue_indirect_dma source(%arg9 : memref<80x16xf32, #tpu.memory_space<vmem>>) target(%dma_start3A_543 : memref<10240x16xf32, #tpu.memory_space<vmem_shared>>) offsets(%dma_start3A_540 : memref<80xi32, #tpu.memory_space<vmem>>) semaphore(%dma_start3A_545 : memref<!tpu.dma_semaphore, #tpu.memory_space<semaphore_mem>>) {add = true}
    }
    %sub3A_166 = arith.constant 2 : i32
    %sub3A_167 = arith.subi %sub3A_0, %sub3A_166 : i32
    %jit3A = arith.constant 3 : i32
    %eq3A = arith.constant 0 : i32
    %eq3A_168 = arith.cmpi eq, %jit3A, %eq3A : i32
    %jit3A_169 = arith.constant 1 : i32
    %select_n3A = arith.select %eq3A_168, %jit3A_169, %jit3A : i32
    %rem3A = arith.remsi %sub3A_167, %select_n3A : i32
    %ne3A = arith.constant 0 : i32
    %ne3A_170 = arith.cmpi ne, %rem3A, %ne3A : i32
    %lt3A = arith.constant 0 : i32
    %lt3A_171 = arith.cmpi slt, %rem3A, %lt3A : i32
    %lt3A_172 = arith.constant 0 : i32
    %lt3A_173 = arith.cmpi slt, %select_n3A, %lt3A_172 : i32
    %ne3A_174 = arith.xori %lt3A_171, %lt3A_173 : i1
    %and3A = arith.andi %ne3A_174, %ne3A_170 : i1
    %add3A_175 = arith.addi %rem3A, %select_n3A : i32
    %select_n3A_176 = arith.select %and3A, %add3A_175, %rem3A : i32
    %jit3A_177 = arith.constant 4 : i32
    %eq3A_178 = arith.constant 0 : i32
    %eq3A_179 = arith.cmpi eq, %jit3A_177, %eq3A_178 : i32
    %jit3A_180 = arith.constant 1 : i32
    %select_n3A_181 = arith.select %eq3A_179, %jit3A_180, %jit3A_177 : i32
    %rem3A_182 = arith.remsi %sub3A_167, %select_n3A_181 : i32
    %ne3A_183 = arith.constant 0 : i32
    %ne3A_184 = arith.cmpi ne, %rem3A_182, %ne3A_183 : i32
    %lt3A_185 = arith.constant 0 : i32
    %lt3A_186 = arith.cmpi slt, %rem3A_182, %lt3A_185 : i32
    %lt3A_187 = arith.constant 0 : i32
    %lt3A_188 = arith.cmpi slt, %select_n3A_181, %lt3A_187 : i32
    %ne3A_189 = arith.xori %lt3A_186, %lt3A_188 : i1
    %and3A_190 = arith.andi %ne3A_189, %ne3A_184 : i1
    %add3A_191 = arith.addi %rem3A_182, %select_n3A_181 : i32
    %select_n3A_192 = arith.select %and3A_190, %add3A_191, %rem3A_182 : i32
    %jit3A_193 = arith.constant 3 : i32
    %eq3A_194 = arith.constant 0 : i32
    %eq3A_195 = arith.cmpi eq, %jit3A_193, %eq3A_194 : i32
    %jit3A_196 = arith.constant 1 : i32
    %select_n3A_197 = arith.select %eq3A_195, %jit3A_196, %jit3A_193 : i32
    %rem3A_198 = arith.remsi %sub3A_167, %select_n3A_197 : i32
    %ne3A_199 = arith.constant 0 : i32
    %ne3A_200 = arith.cmpi ne, %rem3A_198, %ne3A_199 : i32
    %lt3A_201 = arith.constant 0 : i32
    %lt3A_202 = arith.cmpi slt, %rem3A_198, %lt3A_201 : i32
    %lt3A_203 = arith.constant 0 : i32
    %lt3A_204 = arith.cmpi slt, %select_n3A_197, %lt3A_203 : i32
    %ne3A_205 = arith.xori %lt3A_202, %lt3A_204 : i1
    %and3A_206 = arith.andi %ne3A_205, %ne3A_200 : i1
    %add3A_207 = arith.addi %rem3A_198, %select_n3A_197 : i32
    %select_n3A_208 = arith.select %and3A_206, %add3A_207, %rem3A_198 : i32
    %dma_wait3A_209 = arith.constant 0 : i32
    %dma_wait3A_210 = arith.constant 0 : i32
    %dma_wait3A_211 = tpu.memref_slice %arg8[%select_n3A_176, %dma_wait3A_209, %dma_wait3A_210] : memref<3x80x256xbf16, #tpu.memory_space<vmem>> -> memref<1x80x256xbf16, #tpu.memory_space<vmem>>
    %dma_wait3A_212 = tpu.memref_squeeze %dma_wait3A_211 : memref<1x80x256xbf16, #tpu.memory_space<vmem>> -> memref<80x256xbf16, #tpu.memory_space<vmem>>
    %dma_wait3A_213 = arith.constant 0 : i32
    %dma_wait3A_214 = tpu.memref_slice %arg7[%select_n3A_192, %dma_wait3A_213] : memref<4x80xi32, #tpu.memory_space<vmem>> -> memref<1x80xi32, #tpu.memory_space<vmem>>
    %dma_wait3A_215 = tpu.memref_squeeze %dma_wait3A_214 : memref<1x80xi32, #tpu.memory_space<vmem>> -> memref<80xi32, #tpu.memory_space<vmem>>
    %dma_wait3A_216 = arith.constant 0 : i32
    %dma_wait3A_217 = arith.constant 0 : i32
    %dma_wait3A_218 = tpu.memref_slice %arg10[%dma_wait3A_216, %dma_wait3A_217] : memref<10240x256xbf16, #tpu.memory_space<vmem_shared>> -> memref<10240x256xbf16, #tpu.memory_space<vmem_shared>>
    %dma_wait3A_219 = tpu.memref_slice %arg14[%select_n3A_208] : memref<3x!tpu.dma_semaphore, #tpu.memory_space<semaphore_mem>> -> memref<1x!tpu.dma_semaphore, #tpu.memory_space<semaphore_mem>>
    %dma_wait3A_220 = tpu.memref_squeeze %dma_wait3A_219 : memref<1x!tpu.dma_semaphore, #tpu.memory_space<semaphore_mem>> -> memref<!tpu.dma_semaphore, #tpu.memory_space<semaphore_mem>>
    tpu.wait_indirect_dma semaphore(%dma_wait3A_220 : memref<!tpu.dma_semaphore, #tpu.memory_space<semaphore_mem>>) src(%dma_wait3A_212 : memref<80x256xbf16, #tpu.memory_space<vmem>>) dst(%dma_wait3A_218 : memref<10240x256xbf16, #tpu.memory_space<vmem_shared>>)
    %jit3A_221 = arith.constant 4 : i32
    %eq3A_222 = arith.constant 0 : i32
    %eq3A_223 = arith.cmpi eq, %jit3A_221, %eq3A_222 : i32
    %jit3A_224 = arith.constant 1 : i32
    %select_n3A_225 = arith.select %eq3A_223, %jit3A_224, %jit3A_221 : i32
    %rem3A_226 = arith.remsi %sub3A_167, %select_n3A_225 : i32
    %ne3A_227 = arith.constant 0 : i32
    %ne3A_228 = arith.cmpi ne, %rem3A_226, %ne3A_227 : i32
    %lt3A_229 = arith.constant 0 : i32
    %lt3A_230 = arith.cmpi slt, %rem3A_226, %lt3A_229 : i32
    %lt3A_231 = arith.constant 0 : i32
    %lt3A_232 = arith.cmpi slt, %select_n3A_225, %lt3A_231 : i32
    %ne3A_233 = arith.xori %lt3A_230, %lt3A_232 : i1
    %and3A_234 = arith.andi %ne3A_233, %ne3A_228 : i1
    %add3A_235 = arith.addi %rem3A_226, %select_n3A_225 : i32
    %select_n3A_236 = arith.select %and3A_234, %add3A_235, %rem3A_226 : i32
    %jit3A_237 = arith.constant 3 : i32
    %eq3A_238 = arith.constant 0 : i32
    %eq3A_239 = arith.cmpi eq, %jit3A_237, %eq3A_238 : i32
    %jit3A_240 = arith.constant 1 : i32
    %select_n3A_241 = arith.select %eq3A_239, %jit3A_240, %jit3A_237 : i32
    %rem3A_242 = arith.remsi %sub3A_167, %select_n3A_241 : i32
    %ne3A_243 = arith.constant 0 : i32
    %ne3A_244 = arith.cmpi ne, %rem3A_242, %ne3A_243 : i32
    %lt3A_245 = arith.constant 0 : i32
    %lt3A_246 = arith.cmpi slt, %rem3A_242, %lt3A_245 : i32
    %lt3A_247 = arith.constant 0 : i32
    %lt3A_248 = arith.cmpi slt, %select_n3A_241, %lt3A_247 : i32
    %ne3A_249 = arith.xori %lt3A_246, %lt3A_248 : i1
    %and3A_250 = arith.andi %ne3A_249, %ne3A_244 : i1
    %add3A_251 = arith.addi %rem3A_242, %select_n3A_241 : i32
    %select_n3A_252 = arith.select %and3A_250, %add3A_251, %rem3A_242 : i32
    %dma_wait3A_253 = arith.constant 0 : i32
    %dma_wait3A_254 = tpu.memref_slice %arg7[%select_n3A_236, %dma_wait3A_253] : memref<4x80xi32, #tpu.memory_space<vmem>> -> memref<1x80xi32, #tpu.memory_space<vmem>>
    %dma_wait3A_255 = tpu.memref_squeeze %dma_wait3A_254 : memref<1x80xi32, #tpu.memory_space<vmem>> -> memref<80xi32, #tpu.memory_space<vmem>>
    %dma_wait3A_256 = arith.constant 0 : i32
    %dma_wait3A_257 = arith.constant 0 : i32
    %dma_wait3A_258 = tpu.memref_slice %arg11[%dma_wait3A_256, %dma_wait3A_257] : memref<10240x16xf32, #tpu.memory_space<vmem_shared>> -> memref<10240x16xf32, #tpu.memory_space<vmem_shared>>
    %dma_wait3A_259 = tpu.memref_slice %arg14[%select_n3A_252] : memref<3x!tpu.dma_semaphore, #tpu.memory_space<semaphore_mem>> -> memref<1x!tpu.dma_semaphore, #tpu.memory_space<semaphore_mem>>
    %dma_wait3A_260 = tpu.memref_squeeze %dma_wait3A_259 : memref<1x!tpu.dma_semaphore, #tpu.memory_space<semaphore_mem>> -> memref<!tpu.dma_semaphore, #tpu.memory_space<semaphore_mem>>
    tpu.wait_indirect_dma semaphore(%dma_wait3A_260 : memref<!tpu.dma_semaphore, #tpu.memory_space<semaphore_mem>>) src(%arg9 : memref<80x16xf32, #tpu.memory_space<vmem>>) dst(%dma_wait3A_258 : memref<10240x16xf32, #tpu.memory_space<vmem_shared>>)
    %sub3A_261 = arith.constant 1 : i32
    %sub3A_262 = arith.subi %sub3A_0, %sub3A_261 : i32
    %jit3A_263 = arith.constant 3 : i32
    %eq3A_264 = arith.constant 0 : i32
    %eq3A_265 = arith.cmpi eq, %jit3A_263, %eq3A_264 : i32
    %jit3A_266 = arith.constant 1 : i32
    %select_n3A_267 = arith.select %eq3A_265, %jit3A_266, %jit3A_263 : i32
    %rem3A_268 = arith.remsi %sub3A_262, %select_n3A_267 : i32
    %ne3A_269 = arith.constant 0 : i32
    %ne3A_270 = arith.cmpi ne, %rem3A_268, %ne3A_269 : i32
    %lt3A_271 = arith.constant 0 : i32
    %lt3A_272 = arith.cmpi slt, %rem3A_268, %lt3A_271 : i32
    %lt3A_273 = arith.constant 0 : i32
    %lt3A_274 = arith.cmpi slt, %select_n3A_267, %lt3A_273 : i32
    %ne3A_275 = arith.xori %lt3A_272, %lt3A_274 : i1
    %and3A_276 = arith.andi %ne3A_275, %ne3A_270 : i1
    %add3A_277 = arith.addi %rem3A_268, %select_n3A_267 : i32
    %select_n3A_278 = arith.select %and3A_276, %add3A_277, %rem3A_268 : i32
    %jit3A_279 = arith.constant 4 : i32
    %eq3A_280 = arith.constant 0 : i32
    %eq3A_281 = arith.cmpi eq, %jit3A_279, %eq3A_280 : i32
    %jit3A_282 = arith.constant 1 : i32
    %select_n3A_283 = arith.select %eq3A_281, %jit3A_282, %jit3A_279 : i32
    %rem3A_284 = arith.remsi %sub3A_262, %select_n3A_283 : i32
    %ne3A_285 = arith.constant 0 : i32
    %ne3A_286 = arith.cmpi ne, %rem3A_284, %ne3A_285 : i32
    %lt3A_287 = arith.constant 0 : i32
    %lt3A_288 = arith.cmpi slt, %rem3A_284, %lt3A_287 : i32
    %lt3A_289 = arith.constant 0 : i32
    %lt3A_290 = arith.cmpi slt, %select_n3A_283, %lt3A_289 : i32
    %ne3A_291 = arith.xori %lt3A_288, %lt3A_290 : i1
    %and3A_292 = arith.andi %ne3A_291, %ne3A_286 : i1
    %add3A_293 = arith.addi %rem3A_284, %select_n3A_283 : i32
    %select_n3A_294 = arith.select %and3A_292, %add3A_293, %rem3A_284 : i32
    %jit3A_295 = arith.constant 3 : i32
    %eq3A_296 = arith.constant 0 : i32
    %eq3A_297 = arith.cmpi eq, %jit3A_295, %eq3A_296 : i32
    %jit3A_298 = arith.constant 1 : i32
    %select_n3A_299 = arith.select %eq3A_297, %jit3A_298, %jit3A_295 : i32
    %rem3A_300 = arith.remsi %sub3A_262, %select_n3A_299 : i32
    %ne3A_301 = arith.constant 0 : i32
    %ne3A_302 = arith.cmpi ne, %rem3A_300, %ne3A_301 : i32
    %lt3A_303 = arith.constant 0 : i32
    %lt3A_304 = arith.cmpi slt, %rem3A_300, %lt3A_303 : i32
    %lt3A_305 = arith.constant 0 : i32
    %lt3A_306 = arith.cmpi slt, %select_n3A_299, %lt3A_305 : i32
    %ne3A_307 = arith.xori %lt3A_304, %lt3A_306 : i1
    %and3A_308 = arith.andi %ne3A_307, %ne3A_302 : i1
    %add3A_309 = arith.addi %rem3A_300, %select_n3A_299 : i32
    %select_n3A_310 = arith.select %and3A_308, %add3A_309, %rem3A_300 : i32
    %dma_wait3A_311 = arith.constant 0 : i32
    %dma_wait3A_312 = arith.constant 0 : i32
    %dma_wait3A_313 = tpu.memref_slice %arg8[%select_n3A_278, %dma_wait3A_311, %dma_wait3A_312] : memref<3x80x256xbf16, #tpu.memory_space<vmem>> -> memref<1x80x256xbf16, #tpu.memory_space<vmem>>
    %dma_wait3A_314 = tpu.memref_squeeze %dma_wait3A_313 : memref<1x80x256xbf16, #tpu.memory_space<vmem>> -> memref<80x256xbf16, #tpu.memory_space<vmem>>
    %dma_wait3A_315 = arith.constant 0 : i32
    %dma_wait3A_316 = tpu.memref_slice %arg7[%select_n3A_294, %dma_wait3A_315] : memref<4x80xi32, #tpu.memory_space<vmem>> -> memref<1x80xi32, #tpu.memory_space<vmem>>
    %dma_wait3A_317 = tpu.memref_squeeze %dma_wait3A_316 : memref<1x80xi32, #tpu.memory_space<vmem>> -> memref<80xi32, #tpu.memory_space<vmem>>
    %dma_wait3A_318 = arith.constant 0 : i32
    %dma_wait3A_319 = arith.constant 0 : i32
    %dma_wait3A_320 = tpu.memref_slice %arg10[%dma_wait3A_318, %dma_wait3A_319] : memref<10240x256xbf16, #tpu.memory_space<vmem_shared>> -> memref<10240x256xbf16, #tpu.memory_space<vmem_shared>>
    %dma_wait3A_321 = tpu.memref_slice %arg14[%select_n3A_310] : memref<3x!tpu.dma_semaphore, #tpu.memory_space<semaphore_mem>> -> memref<1x!tpu.dma_semaphore, #tpu.memory_space<semaphore_mem>>
    %dma_wait3A_322 = tpu.memref_squeeze %dma_wait3A_321 : memref<1x!tpu.dma_semaphore, #tpu.memory_space<semaphore_mem>> -> memref<!tpu.dma_semaphore, #tpu.memory_space<semaphore_mem>>
    tpu.wait_indirect_dma semaphore(%dma_wait3A_322 : memref<!tpu.dma_semaphore, #tpu.memory_space<semaphore_mem>>) src(%dma_wait3A_314 : memref<80x256xbf16, #tpu.memory_space<vmem>>) dst(%dma_wait3A_320 : memref<10240x256xbf16, #tpu.memory_space<vmem_shared>>)
    %jit3A_323 = arith.constant 4 : i32
    %eq3A_324 = arith.constant 0 : i32
    %eq3A_325 = arith.cmpi eq, %jit3A_323, %eq3A_324 : i32
    %jit3A_326 = arith.constant 1 : i32
    %select_n3A_327 = arith.select %eq3A_325, %jit3A_326, %jit3A_323 : i32
    %rem3A_328 = arith.remsi %sub3A_262, %select_n3A_327 : i32
    %ne3A_329 = arith.constant 0 : i32
    %ne3A_330 = arith.cmpi ne, %rem3A_328, %ne3A_329 : i32
    %lt3A_331 = arith.constant 0 : i32
    %lt3A_332 = arith.cmpi slt, %rem3A_328, %lt3A_331 : i32
    %lt3A_333 = arith.constant 0 : i32
    %lt3A_334 = arith.cmpi slt, %select_n3A_327, %lt3A_333 : i32
    %ne3A_335 = arith.xori %lt3A_332, %lt3A_334 : i1
    %and3A_336 = arith.andi %ne3A_335, %ne3A_330 : i1
    %add3A_337 = arith.addi %rem3A_328, %select_n3A_327 : i32
    %select_n3A_338 = arith.select %and3A_336, %add3A_337, %rem3A_328 : i32
    %jit3A_339 = arith.constant 3 : i32
    %eq3A_340 = arith.constant 0 : i32
    %eq3A_341 = arith.cmpi eq, %jit3A_339, %eq3A_340 : i32
    %jit3A_342 = arith.constant 1 : i32
    %select_n3A_343 = arith.select %eq3A_341, %jit3A_342, %jit3A_339 : i32
    %rem3A_344 = arith.remsi %sub3A_262, %select_n3A_343 : i32
    %ne3A_345 = arith.constant 0 : i32
    %ne3A_346 = arith.cmpi ne, %rem3A_344, %ne3A_345 : i32
    %lt3A_347 = arith.constant 0 : i32
    %lt3A_348 = arith.cmpi slt, %rem3A_344, %lt3A_347 : i32
    %lt3A_349 = arith.constant 0 : i32
    %lt3A_350 = arith.cmpi slt, %select_n3A_343, %lt3A_349 : i32
    %ne3A_351 = arith.xori %lt3A_348, %lt3A_350 : i1
    %and3A_352 = arith.andi %ne3A_351, %ne3A_346 : i1
    %add3A_353 = arith.addi %rem3A_344, %select_n3A_343 : i32
    %select_n3A_354 = arith.select %and3A_352, %add3A_353, %rem3A_344 : i32
    %dma_wait3A_355 = arith.constant 0 : i32
    %dma_wait3A_356 = tpu.memref_slice %arg7[%select_n3A_338, %dma_wait3A_355] : memref<4x80xi32, #tpu.memory_space<vmem>> -> memref<1x80xi32, #tpu.memory_space<vmem>>
    %dma_wait3A_357 = tpu.memref_squeeze %dma_wait3A_356 : memref<1x80xi32, #tpu.memory_space<vmem>> -> memref<80xi32, #tpu.memory_space<vmem>>
    %dma_wait3A_358 = arith.constant 0 : i32
    %dma_wait3A_359 = arith.constant 0 : i32
    %dma_wait3A_360 = tpu.memref_slice %arg11[%dma_wait3A_358, %dma_wait3A_359] : memref<10240x16xf32, #tpu.memory_space<vmem_shared>> -> memref<10240x16xf32, #tpu.memory_space<vmem_shared>>
    %dma_wait3A_361 = tpu.memref_slice %arg14[%select_n3A_354] : memref<3x!tpu.dma_semaphore, #tpu.memory_space<semaphore_mem>> -> memref<1x!tpu.dma_semaphore, #tpu.memory_space<semaphore_mem>>
    %dma_wait3A_362 = tpu.memref_squeeze %dma_wait3A_361 : memref<1x!tpu.dma_semaphore, #tpu.memory_space<semaphore_mem>> -> memref<!tpu.dma_semaphore, #tpu.memory_space<semaphore_mem>>
    tpu.wait_indirect_dma semaphore(%dma_wait3A_362 : memref<!tpu.dma_semaphore, #tpu.memory_space<semaphore_mem>>) src(%arg9 : memref<80x16xf32, #tpu.memory_space<vmem>>) dst(%dma_wait3A_360 : memref<10240x16xf32, #tpu.memory_space<vmem_shared>>)
    %barrier3A_363 = arith.constant 0 : index
    tpu.barrier barrier_id(%barrier3A_363)
    %mul3A = arith.constant 640 : i32
    %mul3A_364 = arith.muli %arg1, %mul3A : i32
    %mul3A_365 = arith.constant 640 : i32
    %mul3A_366 = arith.muli %arg1, %mul3A_365 : i32
    "tpu.region"() ({
      %run_scoped3A = tpu.sem_alloc : memref<!tpu.dma_semaphore, #tpu.memory_space<semaphore_mem>>
      %dma_start3A_371 = arith.constant 0 : i32
      %dma_start3A_372 = tpu.memref_slice %arg4[%arg0, %mul3A_366, %dma_start3A_371] : memref<2x10240x256xbf16, #tpu.memory_space<hbm>> -> memref<1x640x256xbf16, #tpu.memory_space<hbm>>
      %dma_start3A_373 = tpu.memref_squeeze %dma_start3A_372 : memref<1x640x256xbf16, #tpu.memory_space<hbm>> -> memref<640x256xbf16, #tpu.memory_space<hbm>>
      %dma_start3A_374 = arith.constant 0 : i32
      %dma_start3A_375 = tpu.memref_slice %arg10[%mul3A_364, %dma_start3A_374] : memref<10240x256xbf16, #tpu.memory_space<vmem_shared>> -> memref<640x256xbf16, #tpu.memory_space<vmem_shared>>
      tpu.enqueue_dma source(%dma_start3A_375 : memref<640x256xbf16, #tpu.memory_space<vmem_shared>>) target(%dma_start3A_373 : memref<640x256xbf16, #tpu.memory_space<hbm>>) target_semaphore(%run_scoped3A : memref<!tpu.dma_semaphore, #tpu.memory_space<semaphore_mem>>)
      %dma_wait3A_376 = arith.constant 0 : i32
      %dma_wait3A_377 = tpu.memref_slice %arg4[%arg0, %mul3A_366, %dma_wait3A_376] : memref<2x10240x256xbf16, #tpu.memory_space<hbm>> -> memref<1x640x256xbf16, #tpu.memory_space<hbm>>
      %dma_wait3A_378 = tpu.memref_squeeze %dma_wait3A_377 : memref<1x640x256xbf16, #tpu.memory_space<hbm>> -> memref<640x256xbf16, #tpu.memory_space<hbm>>
      %dma_wait3A_379 = arith.constant 0 : i32
      %dma_wait3A_380 = tpu.memref_slice %arg10[%mul3A_364, %dma_wait3A_379] : memref<10240x256xbf16, #tpu.memory_space<vmem_shared>> -> memref<640x256xbf16, #tpu.memory_space<vmem_shared>>
      tpu.wait_dma2 semaphore(%run_scoped3A : memref<!tpu.dma_semaphore, #tpu.memory_space<semaphore_mem>>) src(%dma_wait3A_380 : memref<640x256xbf16, #tpu.memory_space<vmem_shared>>) dst(%dma_wait3A_378 : memref<640x256xbf16, #tpu.memory_space<hbm>>)
      tpu.yield
    }) : () -> ()
    %mul3A_367 = arith.constant 640 : i32
    %mul3A_368 = arith.muli %arg1, %mul3A_367 : i32
    %mul3A_369 = arith.constant 640 : i32
    %mul3A_370 = arith.muli %arg1, %mul3A_369 : i32
    "tpu.region"() ({
      %run_scoped3A = tpu.sem_alloc : memref<!tpu.dma_semaphore, #tpu.memory_space<semaphore_mem>>
      %dma_start3A_371 = arith.constant 0 : i32
      %dma_start3A_372 = tpu.memref_slice %arg5[%arg0, %mul3A_370, %dma_start3A_371] : memref<2x10240x16xf32, #tpu.memory_space<hbm>> -> memref<1x640x16xf32, #tpu.memory_space<hbm>>
      %dma_start3A_373 = tpu.memref_squeeze %dma_start3A_372 : memref<1x640x16xf32, #tpu.memory_space<hbm>> -> memref<640x16xf32, #tpu.memory_space<hbm>>
      %dma_start3A_374 = arith.constant 0 : i32
      %dma_start3A_375 = tpu.memref_slice %arg11[%mul3A_368, %dma_start3A_374] : memref<10240x16xf32, #tpu.memory_space<vmem_shared>> -> memref<640x16xf32, #tpu.memory_space<vmem_shared>>
      tpu.enqueue_dma source(%dma_start3A_375 : memref<640x16xf32, #tpu.memory_space<vmem_shared>>) target(%dma_start3A_373 : memref<640x16xf32, #tpu.memory_space<hbm>>) target_semaphore(%run_scoped3A : memref<!tpu.dma_semaphore, #tpu.memory_space<semaphore_mem>>)
      %dma_wait3A_376 = arith.constant 0 : i32
      %dma_wait3A_377 = tpu.memref_slice %arg5[%arg0, %mul3A_370, %dma_wait3A_376] : memref<2x10240x16xf32, #tpu.memory_space<hbm>> -> memref<1x640x16xf32, #tpu.memory_space<hbm>>
      %dma_wait3A_378 = tpu.memref_squeeze %dma_wait3A_377 : memref<1x640x16xf32, #tpu.memory_space<hbm>> -> memref<640x16xf32, #tpu.memory_space<hbm>>
      %dma_wait3A_379 = arith.constant 0 : i32
      %dma_wait3A_380 = tpu.memref_slice %arg11[%mul3A_368, %dma_wait3A_379] : memref<10240x16xf32, #tpu.memory_space<vmem_shared>> -> memref<640x16xf32, #tpu.memory_space<vmem_shared>>
      tpu.wait_dma2 semaphore(%run_scoped3A : memref<!tpu.dma_semaphore, #tpu.memory_space<semaphore_mem>>) src(%dma_wait3A_380 : memref<640x16xf32, #tpu.memory_space<vmem_shared>>) dst(%dma_wait3A_378 : memref<640x16xf32, #tpu.memory_space<hbm>>)
      tpu.yield
    }) : () -> ()
    return
  }
}

module attributes {stable_mosaic.version = 14 : i64} {
  func.func @body(%arg0: i32, %arg1: memref<1000x256xf32, #tpu.memory_space<vmem>>, %arg2: memref<256x256xf32, #tpu.memory_space<vmem>>, %arg3: memref<1x256xf32, #tpu.memory_space<vmem>>, %arg4: memref<1000x256xf32, #tpu.memory_space<vmem>>) attributes {dimension_semantics = [#tpu.dimension_semantics<arbitrary>], iteration_bounds = array<i64: 10>, scalar_prefetch = 0 : i64, scratch_operands = 0 : i64, tpu.core_type = #tpu.core_type<tc>, window_params = [{transform_indices = @transform_0, window_bounds = array<i64: 1000, 256>}, {pipeline_mode = #tpu.pipeline_mode<synchronous>, transform_indices = @transform_1, window_bounds = array<i64: 256, 256>}, {pipeline_mode = #tpu.pipeline_mode<synchronous>, transform_indices = @transform_2, window_bounds = array<i64: 1, 256>}, {transform_indices = @transform_3, window_bounds = array<i64: 1000, 256>}]} {
    %get3A = arith.constant 0 : index
    %get3A_0 = arith.constant 0 : index
    %get3A_1 = vector.load %arg1[%get3A, %get3A_0] : memref<1000x256xf32, #tpu.memory_space<vmem>>, vector<1000x256xf32>
    %get3A_2 = arith.constant 0 : index
    %get3A_3 = arith.constant 0 : index
    %get3A_4 = vector.load %arg2[%get3A_2, %get3A_3] : memref<256x256xf32, #tpu.memory_space<vmem>>, vector<256x256xf32>
    %dot_general3A = arith.constant dense<0.000000e+00> : vector<1000x256xf32>
    %dot_general3A_5 = tpu.matmul %get3A_1, %get3A_4, %dot_general3A {dimension_numbers = #tpu.dot_dimension_numbers<[1], [0], [0], [1], [0, 0, 1, 1], [], []>, transpose_lhs_hint = false} : vector<1000x256xf32>, vector<256x256xf32>, vector<1000x256xf32> -> vector<1000x256xf32>
    %add3A = arith.addf %dot_general3A_5, %get3A_1 : vector<1000x256xf32>
    %get3A_6 = arith.constant 0 : index
    %get3A_7 = arith.constant 0 : index
    %get3A_8 = vector.load %arg3[%get3A_6, %get3A_7] : memref<1x256xf32, #tpu.memory_space<vmem>>, vector<1x256xf32>
    %add3A_9 = vector.broadcast %get3A_8 : vector<1x256xf32> to vector<1000x256xf32>
    %add3A_10 = arith.addf %add3A, %add3A_9 : vector<1000x256xf32>
    %swap3A = arith.constant 0 : index
    %swap3A_11 = arith.constant 0 : index
    %swap3A_12 = vector.load %arg4[%swap3A, %swap3A_11] : memref<1000x256xf32, #tpu.memory_space<vmem>>, vector<1000x256xf32>
    tpu.vector_store %arg4[%swap3A, %swap3A_11], %add3A_10 {strides = array<i32>} : memref<1000x256xf32, #tpu.memory_space<vmem>>, vector<1000x256xf32>,
    return
  }
  func.func @transform_0(%arg0: i32) -> (i32, i32) {
    %c0_i32 = arith.constant 0 : i32
    %c0_i32_0 = arith.constant 0 : i32
    return %arg0, %c0_i32 : i32, i32
  }
  func.func @transform_1(%arg0: i32) -> (i32, i32) {
    %c0_i32 = arith.constant 0 : i32
    %c0_i32_0 = arith.constant 0 : i32
    %c0_i32_1 = arith.constant 0 : i32
    return %c0_i32, %c0_i32_0 : i32, i32
  }
  func.func @transform_2(%arg0: i32) -> (i32, i32) {
    %c0_i32 = arith.constant 0 : i32
    %c0_i32_0 = arith.constant 0 : i32
    %c0_i32_1 = arith.constant 0 : i32
    return %c0_i32, %c0_i32_0 : i32, i32
  }
  func.func @transform_3(%arg0: i32) -> (i32, i32) {
    %c0_i32 = arith.constant 0 : i32
    %c0_i32_0 = arith.constant 0 : i32
    return %arg0, %c0_i32 : i32, i32
  }
}

module attributes {stable_mosaic.version = 14 : i64} {
  func.func @body(%arg0: i32, %arg1: memref<1x1000x256xbf16, #tpu.memory_space<vmem>>, %arg2: memref<1x1000x256xbf16, #tpu.memory_space<vmem>>, %arg3: memref<1x1000x16xf32, #tpu.memory_space<vmem>>, %arg4: memref<1x1000x16xf32, #tpu.memory_space<vmem>>, %arg5: memref<1000x256xf32, #tpu.memory_space<vmem>>, %arg6: memref<256x256xf32, #tpu.memory_space<vmem>>, %arg7: memref<1000x256xf32, #tpu.memory_space<vmem>>) attributes {dimension_semantics = [#tpu.dimension_semantics<arbitrary>], iteration_bounds = array<i64: 10>, scalar_prefetch = 0 : i64, scratch_operands = 0 : i64, tpu.core_type = #tpu.core_type<tc>, window_params = [{transform_indices = @transform_0, window_bounds = array<i64: 1, 1000, 256>}, {transform_indices = @transform_1, window_bounds = array<i64: 1, 1000, 256>}, {transform_indices = @transform_2, window_bounds = array<i64: 1, 1000, 16>}, {transform_indices = @transform_3, window_bounds = array<i64: 1, 1000, 16>}, {transform_indices = @transform_4, window_bounds = array<i64: 1000, 256>}, {pipeline_mode = #tpu.pipeline_mode<synchronous>, transform_indices = @transform_5, window_bounds = array<i64: 256, 256>}, {transform_indices = @transform_6, window_bounds = array<i64: 1000, 256>}]} {
    %get3A = arith.constant 0 : index
    %get3A_0 = arith.constant 0 : index
    %get3A_1 = arith.constant 0 : index
    %get3A_2 = vector.load %arg1[%get3A, %get3A_0, %get3A_1] : memref<1x1000x256xbf16, #tpu.memory_space<vmem>>, vector<1x1000x256xbf16>
    %get3A_3 = vector.shape_cast %get3A_2 : vector<1x1000x256xbf16> to vector<1000x256xbf16>
    %convert_element_type3A = arith.extf %get3A_3 : vector<1000x256xbf16> to vector<1000x256xf32>
    %get3A_4 = arith.constant 0 : index
    %get3A_5 = arith.constant 0 : index
    %get3A_6 = arith.constant 0 : index
    %get3A_7 = vector.load %arg2[%get3A_4, %get3A_5, %get3A_6] : memref<1x1000x256xbf16, #tpu.memory_space<vmem>>, vector<1x1000x256xbf16>
    %get3A_8 = vector.shape_cast %get3A_7 : vector<1x1000x256xbf16> to vector<1000x256xbf16>
    %convert_element_type3A_9 = arith.extf %get3A_8 : vector<1000x256xbf16> to vector<1000x256xf32>
    %add3A = arith.addf %convert_element_type3A, %convert_element_type3A_9 : vector<1000x256xf32>
    %get3A_10 = arith.constant 0 : index
    %get3A_11 = arith.constant 0 : index
    %get3A_12 = arith.constant 0 : index
    %get3A_13 = vector.load %arg3[%get3A_10, %get3A_11, %get3A_12] : memref<1x1000x16xf32, #tpu.memory_space<vmem>>, vector<1x1000x16xf32>
    %get3A_14 = vector.shape_cast %get3A_13 : vector<1x1000x16xf32> to vector<1000x16xf32>
    %slice3A = vector.extract_strided_slice %get3A_14 {offsets = [0, 0], sizes = [1000, 1], strides = [1, 1]} : vector<1000x16xf32> to vector<1000x1xf32>
    %get3A_15 = arith.constant 0 : index
    %get3A_16 = arith.constant 0 : index
    %get3A_17 = arith.constant 0 : index
    %get3A_18 = vector.load %arg4[%get3A_15, %get3A_16, %get3A_17] : memref<1x1000x16xf32, #tpu.memory_space<vmem>>, vector<1x1000x16xf32>
    %get3A_19 = vector.shape_cast %get3A_18 : vector<1x1000x16xf32> to vector<1000x16xf32>
    %slice3A_20 = vector.extract_strided_slice %get3A_19 {offsets = [0, 0], sizes = [1000, 1], strides = [1, 1]} : vector<1000x16xf32> to vector<1000x1xf32>
    %add3A_21 = arith.addf %slice3A, %slice3A_20 : vector<1000x1xf32>
    %max3A = arith.constant 1.000000e+00 : f32
    %max3A_22 = vector.broadcast %max3A : f32 to vector<1000x1xf32>
    %max3A_23 = arith.maximumf %add3A_21, %max3A_22 : vector<1000x1xf32>
    %div3A = arith.constant 1.000000e+00 : f32
    %div3A_24 = vector.broadcast %div3A : f32 to vector<1000x1xf32>
    %div3A_25 = arith.divf %div3A_24, %max3A_23 : vector<1000x1xf32>
    %mul3A = vector.broadcast %div3A_25 : vector<1000x1xf32> to vector<1000x256xf32>
    %mul3A_26 = arith.mulf %add3A, %mul3A : vector<1000x256xf32>
    %get3A_27 = arith.constant 0 : index
    %get3A_28 = arith.constant 0 : index
    %get3A_29 = vector.load %arg6[%get3A_27, %get3A_28] : memref<256x256xf32, #tpu.memory_space<vmem>>, vector<256x256xf32>
    %dot_general3A = arith.constant dense<0.000000e+00> : vector<1000x256xf32>
    %dot_general3A_30 = tpu.matmul %mul3A_26, %get3A_29, %dot_general3A {dimension_numbers = #tpu.dot_dimension_numbers<[1], [0], [0], [1], [0, 0, 1, 1], [], []>, transpose_lhs_hint = false} : vector<1000x256xf32>, vector<256x256xf32>, vector<1000x256xf32> -> vector<1000x256xf32>
    %get3A_31 = arith.constant 0 : index
    %get3A_32 = arith.constant 0 : index
    %get3A_33 = vector.load %arg5[%get3A_31, %get3A_32] : memref<1000x256xf32, #tpu.memory_space<vmem>>, vector<1000x256xf32>
    %add3A_34 = arith.addf %dot_general3A_30, %get3A_33 : vector<1000x256xf32>
    %swap3A = arith.constant 0 : index
    %swap3A_35 = arith.constant 0 : index
    %swap3A_36 = vector.load %arg7[%swap3A, %swap3A_35] : memref<1000x256xf32, #tpu.memory_space<vmem>>, vector<1000x256xf32>
    tpu.vector_store %arg7[%swap3A, %swap3A_35], %add3A_34 {strides = array<i32>} : memref<1000x256xf32, #tpu.memory_space<vmem>>, vector<1000x256xf32>,
    return
  }
  func.func @transform_0(%arg0: i32) -> (i32, i32, i32) {
    %c0_i32 = arith.constant 0 : i32
    %c0_i32_0 = arith.constant 0 : i32
    %c0_i32_1 = arith.constant 0 : i32
    return %c0_i32, %arg0, %c0_i32_0 : i32, i32, i32
  }
  func.func @transform_1(%arg0: i32) -> (i32, i32, i32) {
    %c1_i32 = arith.constant 1 : i32
    %c0_i32 = arith.constant 0 : i32
    %c0_i32_0 = arith.constant 0 : i32
    return %c1_i32, %arg0, %c0_i32 : i32, i32, i32
  }
  func.func @transform_2(%arg0: i32) -> (i32, i32, i32) {
    %c0_i32 = arith.constant 0 : i32
    %c0_i32_0 = arith.constant 0 : i32
    %c0_i32_1 = arith.constant 0 : i32
    return %c0_i32, %arg0, %c0_i32_0 : i32, i32, i32
  }
  func.func @transform_3(%arg0: i32) -> (i32, i32, i32) {
    %c1_i32 = arith.constant 1 : i32
    %c0_i32 = arith.constant 0 : i32
    %c0_i32_0 = arith.constant 0 : i32
    return %c1_i32, %arg0, %c0_i32 : i32, i32, i32
  }
  func.func @transform_4(%arg0: i32) -> (i32, i32) {
    %c0_i32 = arith.constant 0 : i32
    %c0_i32_0 = arith.constant 0 : i32
    return %arg0, %c0_i32 : i32, i32
  }
  func.func @transform_5(%arg0: i32) -> (i32, i32) {
    %c0_i32 = arith.constant 0 : i32
    %c0_i32_0 = arith.constant 0 : i32
    %c0_i32_1 = arith.constant 0 : i32
    return %c0_i32, %c0_i32_0 : i32, i32
  }
  func.func @transform_6(%arg0: i32) -> (i32, i32) {
    %c0_i32 = arith.constant 0 : i32
    %c0_i32_0 = arith.constant 0 : i32
    return %arg0, %c0_i32 : i32, i32
  }
}

</mosaic_0001>

<sc_bundles>
// kernel: kernel.5.cloned.1.call-start
scs
__scs_entry_jumppad:
0x0: {  	(pc) =	sbr.rel $0x88, $3  }
0x1: {  	(tag) =	ssettag $0x0;
	lr =	simm.s32 $0x1  }
0x2: {  	[smem:$0x3F9C] =	sst lr;
	_ =	strace $0xD0000000  }
0x3: {  	_ = 	snop  }
0x4: {  	_ = 	snop  }
0x5: {  	_ = 	snop  }
0x6: {  	_ = 	snop  }
0x7: {  	_ = 	snop  }
__scs_overlays_trampoline_lowered:
0x8: {  	[smem:$0x3FAB] =	sst s0  }
0x9: {  	[smem:$0x3FAC] =	sst s1  }
0xa: {  	[smem:$0x3FAD] =	sst s2  }
0xb: {  	[smem:$0x3FAE] =	sst s3  }
0xc: {  	[smem:$0x3FAF] =	sst s4  }
0xd: {  	[smem:$0x3FB0] =	sst s5  }
0xe: {  	[smem:$0x3FB1] =	sst s6  }
0xf: {  	[smem:$0x3FB2] =	sst s7  }
0x10: {  	[smem:$0x3FB3] =	sst s8  }
0x11: {  	[smem:$0x3FB4] =	sst s9;
	s0 =	simm.s32 @!p0 $0x0  }
0x12: {  	s1 =	sld [smem:$0x3F9A];
	s0 =	simm.s32 @p0 $0x1  }
0x13: {  	[smem:$0x3FB5] =	sst s0;
	s0 =	simm.s32 @!p1 $0x0  }
0x14: {  	s2 =	sld [smem:$0x3F99];
	s0 =	simm.s32 @p1 $0x1  }
0x15: {  	[smem:$0x3FB6] =	sst s0;
	s0 =	simm.s32 @!p2 $0x0  }
0x16: {  	s3 =	sld [smem:$0x3FDB];
	s0 =	simm.s32 @p2 $0x1  }
0x17: {  	s4 =	simm.s32 $0x1BF5;
	[smem:$0x3FB8] =	sst s0  }
0x18: {  	s0 =	sld [smem:$0x3F9B];
	_ =	swait.ge [sflag:s4], $0x0  }
0x19: {  	s7 =	sld [smem:$0x3F9C]  }
0x1a: {  	s8 =	sadd.s32 $0xFFFFE003, lr  }
0x1b: {  	s9 =	sadd.s32 $0xFFFFFEF7, lr;
	s5 =	simm.s32 $0xFFFFFFFF;
	p2 =	slt.u32 s8, $0xFFFFF086  }
0x1c: {  	p1 =	slt.u32 s9, $0xF7A;
	s5 =	simm.s32 @!p2 $0x0  }
0x1d: {  	s5 =	simm.s32 @p1 $0x1;
	p0 =	seq.s32 s7, s2  }
0x1e: {  	s7 =	smul.u32 @!p0 $0xF7A, s2;
	p2 =	seq.s32 @!p0 s5, $0x0  }
0x1f: {  	s9 =	smul.u32 $0xF7A, s1;
	s8 =	simm.s32 @!p0 $0x1BF5;
	p2 =	por !p2, p0  }
0x20: {  	[sflag:s8] =	ssyncset.s32 @!p0 $0xFFFFF086;
	s6 =	sadd.s32 @!p0 s3, s7;
	s7 =	simm.s32 @!p0 $0x108  }
0x21: {  	s3 =	sadd.s32 s3, s9;
	s6 =	sadd.s32 @!p0 $0x88, s6;
	s7 =	simm.s32 @p2 $0x1082  }
0x22: {  	[simem:s7], [sflag:s8] =	dma.local @!p0 [hbm:s6], $0xF7A  }
0x23: {  	s9 =	sor.u32 $0xD0000000, s2;
	s6 =	simm.s32 $0x108;
	_ =	swait.ge @!p0 [sflag:s8], $0x0  }
0x24: {  	s3 =	sadd.s32 $0x88, s3;
	s6 =	simm.s32 @!p1 $0x1082;
	[sflag:s4] =	ssyncset.s32 $0xFFFFF086  }
0x25: {  	[simem:s6], [sflag:s4] =	dma.local [hbm:s3], $0xF7A  }
0x26: {  	[smem:$0x3F9C] =	sst s1;
	(tag) =	ssettag s2;
	_ =	strace s9  }
0x27: {  	s1 =	sld [smem:$0x3FAC]  }
0x28: {  	s2 =	sld [smem:$0x3FAD]  }
0x29: {  	s4 =	sld [smem:$0x3FAF]  }
0x2a: {  	p0 =	seq.s32 s5, $0x0;
	s5 =	sld [smem:$0x3FB0]  }
0x2b: {  	s6 =	sld [smem:$0x3FB1]  }
0x2c: {  	s7 =	sld [smem:$0x3FB2]  }
0x2d: {  	s3 =	simm.s32 $0x108;
	s8 =	sld [smem:$0x3FB3]  }
0x2e: {  	s3 =	simm.s32 @!p0 $0x1082;
	s9 =	sld [smem:$0x3FB4]  }
0x2f: {  	lr =	sadd.s32 s0, s3;
	s0 =	sld [smem:$0x3FAB]  }
0x30: {  	s3 =	sld [smem:$0x3FAE]  }
0x31: {  	[smem:$0x3FB7] =	sst s10  }
0x32: {  	s10 =	sld [smem:$0x3FB5];
	_ =	sdelay $0x3  }
0x33: {  	p0 =	seq.s32 s10, $0x1;
	s10 =	sld [smem:$0x3FB7];
	_ =	sdelay $0x3  }
0x34: {  	[smem:$0x3FB7] =	sst s10  }
0x35: {  	s10 =	sld [smem:$0x3FB6];
	_ =	sdelay $0x3  }
0x36: {  	p1 =	seq.s32 s10, $0x1;
	s10 =	sld [smem:$0x3FB7];
	_ =	sdelay $0x3  }
0x37: {  	[smem:$0x3FB7] =	sst s10  }
0x38: {  	s10 =	sld [smem:$0x3FB8]  }
0x39: {  	_ = 	snop;
	(pc) =	sbr.ind lr, $3  }
0x3a: {  	_ = 	snop  }
0x3b: {  	_ = 	snop  }
0x3c: {  	p2 =	seq.s32 s10, $0x1;
	s10 =	sld [smem:$0x3FB7]  }
0x3d: {  	_ =	shalt  }
0x3e: {  	_ =	shalt  }
0x3f: {  	_ =	shalt  }
0x40: {  	_ =	shalt  }
0x41: {  	_ =	shalt  }
0x42: {  	_ =	shalt  }
0x43: {  	_ =	shalt  }
0x44: {  	_ =	shalt  }
0x45: {  	_ =	shalt  }
0x46: {  	_ =	shalt  }
0x47: {  	_ =	shalt  }
0x48: {  	_ =	shalt  }
0x49: {  	_ =	shalt  }
0x4a: {  	_ =	shalt  }
0x4b: {  	_ =	shalt  }
0x4c: {  	_ =	shalt  }
0x4d: {  	_ =	shalt  }
0x4e: {  	_ =	shalt  }
0x4f: {  	_ =	shalt  }
0x50: {  	_ =	shalt  }
0x51: {  	_ =	shalt  }
0x52: {  	_ =	shalt  }
0x53: {  	_ =	shalt  }
0x54: {  	_ =	shalt  }
0x55: {  	_ =	shalt  }
0x56: {  	_ =	shalt  }
0x57: {  	_ =	shalt  }
0x58: {  	_ =	shalt  }
0x59: {  	_ =	shalt  }
0x5a: {  	_ =	shalt  }
0x5b: {  	_ =	shalt  }
0x5c: {  	_ =	shalt  }
0x5d: {  	_ =	shalt  }
0x5e: {  	_ =	shalt  }
0x5f: {  	_ =	shalt  }
0x60: {  	_ =	shalt  }
0x61: {  	_ =	shalt  }
0x62: {  	_ =	shalt  }
0x63: {  	_ =	shalt  }
0x64: {  	_ =	shalt  }
0x65: {  	_ =	shalt  }
0x66: {  	_ =	shalt  }
0x67: {  	_ =	shalt  }
0x68: {  	_ =	shalt  }
0x69: {  	_ =	shalt  }
0x6a: {  	_ =	shalt  }
0x6b: {  	_ =	shalt  }
0x6c: {  	_ =	shalt  }
0x6d: {  	_ =	shalt  }
0x6e: {  	_ =	shalt  }
0x6f: {  	_ =	shalt  }
0x70: {  	_ =	shalt  }
0x71: {  	_ =	shalt  }
0x72: {  	_ =	shalt  }
0x73: {  	_ =	shalt  }
0x74: {  	_ =	shalt  }
0x75: {  	_ =	shalt  }
0x76: {  	_ =	shalt  }
0x77: {  	_ =	shalt  }
0x78: {  	_ =	shalt  }
0x79: {  	_ =	shalt  }
0x7a: {  	_ =	shalt  }
0x7b: {  	_ =	shalt  }
0x7c: {  	_ =	shalt  }
0x7d: {  	_ =	shalt  }
0x7e: {  	_ =	shalt  }
0x7f: {  	_ =	shalt  }
0x80: {  	_ =	shalt  }
0x81: {  	_ =	shalt  }
0x82: {  	_ =	shalt  }
0x83: {  	_ =	shalt  }
0x84: {  	_ =	shalt  }
0x85: {  	_ =	shalt  }
0x86: {  	_ =	shalt  }
0x87: {  	_ =	shalt  }
.Lfunc_end0:
.L_simem_size_0:
called_computation_lowered:
.L_overlay_start_0:
0x88: {  	s2 =	sld [smem:$0x3FD9]  }
0x89: {  	s3 =	sld [smem:$0x3FFE];
	_ =	sdelay $0x1  }
0x8a: {  	s1 =	srdreg.scid  }
0x8b: {  	s0 =	sand.u32 $0x1, s1  }
0x8c: {  	s17 =	sshll.u32 s0, $0xA;
	s2 =	sadd.s32 s3, s2  }
0x8d: {  	s2 =	sadd.s32 s2, s17  }
0x8e: {  	[smem:$0x3FC3] =	sst s2  }
0x8f: {  	_ = 	snop  }
0x90: {  	s2 =	sld [smem:$0x3FD0];
	(tm) =	ssettm $0x1  }
0x91: {  	s18 =	sld [smem:$0x3FFB];
	_ =	sdelay $0x3  }
0x92: {  	_ =	strace s18  }
0x93: {  	s3 =	sld [smem:$0x3FFC];
	_ =	sdelay $0x3  }
0x94: {  	_ =	strace s3  }
0x95: {  	s3 =	sld [smem:$0x3FFD];
	_ =	sdelay $0x3  }
0x96: {  	_ =	strace s3  }
0x97: {  	_ =	strace $0x8FFFFFFF  }
0x98: {  	s19 =	sld [smem:$0x3FDB];
	_ =	sdelay $0x1  }
0x99: {  	s4 =	simm.s32 $_scs_section_size  }
0x9a: {  	s5 =	simm.s32 $_size__tile_overlayer_lowered;
	s6 =	simm.s32 $_tile_overlayer_lowered  }
0x9b: {  	s22 =	simm.s32 $0x1BFF;
	s21 =	sshll.u32 s6, $0x1;
	s3 =	sadd.s32 s4, s19  }
0x9c: {  	s7 =	simm.s32 $0x0;
	s20 =	sshll.u32 s5, $0x1;
	s5 =	sadd.s32 s21, s3  }
0x9d: {  	[timem:s7], [sflag:s22] =	dma.local [hbm:s5], s20  }
0x9e: {  	_ =	swait.ge [sflag:s22], s20  }
0x9f: {  	s4 =	ssub.s32 $0x0, s20;
	[sflag:s22] =	ssyncset.done $0x0  }
0xa0: {  	[sflag:s22] =	ssyncadd.s32 s4;
	_ =	sdelay $0x1  }
0xa1: {  	s23 =	simm.s32 $0x1B8B  }
0xa2: {  	_ =	swait.ge [sflag:s23], $0x1  }
0xa3: {  	[sflag:s23] =	ssyncset.done $0x0  }
0xa4: {  	s25 =	simm.s32 $0x1B8E;
	s24 =	sld [smem:$0x3FFE];
	[sflag:s23] =	ssyncadd.s32 $0xFFFFFFFF  }
0xa5: {  	s26 =	simm.s32 $execute0_lowered;
	[smem:$0x3FD2] =	sst s25  }
0xa6: {  	s5 =	sshll.u32 s26, $0x1;
	_ =	strace $0x80000046;
	[dreg:$0x1] =	wrdreg $0xFFFFFFFF  }
0xa7: {  	s28 =	simm.s32 $_size_execute0_lowered;
	s3 =	sadd.s32 s3, s5;
	[dreg:$0x0] =	wrdreg $0x0  }
0xa8: {  	s5 =	sshll.u32 s28, $0x1;
	[dreg:$0x2] =	wrdreg s3  }
0xa9: {  	[dreg:$0x3] =	wrdreg s5  }
0xaa: {  	[dreg:$0x4] =	wrdreg $0xC0  }
0xab: {  	_ =	task [dreg:s7], $0x5FFFF  }
0xac: {  	[dreg:$0x1] =	wrdreg $0xFFFFFFFF  }
0xad: {  	[dreg:$0x0] =	wrdreg $0x60  }
0xae: {  	[dreg:$0x2] =	wrdreg s2  }
0xaf: {  	[dreg:$0x3] =	wrdreg s24  }
0xb0: {  	[dreg:$0x4] =	wrdreg $0x7F800  }
0xb1: {  	[dreg:$0x5] =	wrdreg $0x1BF800  }
0xb2: {  	[dreg:$0x6] =	wrdreg $0x9  }
0xb3: {  	_ =	task.clear_ibuf [dreg:s7], $0x7FFFF;
	_ =	strace $0x90000046  }
0xb4: {  	s29 =	simm.s32 $0x9;
	_ =	strace $0x80000048  }
0xb5: {  	_ =	swait.ge [sflag:s29], $0x1  }
0xb6: {  	[sflag:s29] =	ssyncadd.s32 $0xFFFFFFFF  }
0xb7: {  	_ =	strace $0x90000048  }
0xb8: {  	_ =	sfence  }
0xb9: {  	s30 =	sld [smem:$0x0];
	_ =	sdelay $0x2  }
0xba: {  	s31 =	sshll.u32 s1, $0xD;
	s1 =	sshrl.u32 s1, $0x2  }
0xbb: {  	s3 =	sand.u32 $0x4000, s31;
	s1 =	sadd.s32 s1, s30  }
0xbc: {  	s0 =	sor.u32 s3, s0;
	s1 =	sshll.u32 s1, $0x11  }
0xbd: {  	s0 =	sor.u32 s1, s0  }
0xbe: {  	s0 =	sadd.s32 $0x8F2B, s0  }
0xbf: {  	[sflag:s0] =	ssyncadd.remote.s32 $0x1  }
0xc0: {  	_ =	sfence.sel $0xFFFF  }
0xc1: {  	[dreg:$0x0] =	wrdreg $0xFFFFFFFF;
	(pc) =	sbr.abs _section_cstart, $3  }
0xc2: {  	[dreg:$0x1] =	wrdreg $0xFFFFFFFF  }
0xc3: {  	_ =	task.clear_ibuf [dreg:s7], $0x2FFFF;
	_ =	strace $0x9FFFFFFF  }
0xc4: {  	(tm) =	ssettm $0x7FFFFFFF  }
0xc5: {  	_ =	shalt  }
tec
execute0_lowered:
.L_overlay_start_1:
0x0: {  	(tag) =	ssettag $0x1  }
0x1: {  	s5 =	stileid.u32  }
0x2: {  	s0 =	rddreg [dreg:$0x0];
	s7 =	smul.u32 $0x28000, s5  }
0x3: {  	s1 =	rddreg [dreg:$0x1];
	s10 =	smul.u32 $0x2800, s5  }
0x4: {  	s2 =	srdreg.scid;
	s29 =	smul.u32 $0x2710, s5  }
0x5: {  	s3 =	rddreg [dreg:$0x2];
	s2 =	sand.u32 $0x1, s2;
	s28 =	smul.u32 $0x50000, s5  }
0x6: {  	s4 =	rddreg [dreg:$0x3];
	s9 =	simm.s32 $0x0;
	s6 =	smul.u32 $0x280000, s2  }
0x7: {  	[smem:$0x7FF] =	sst s9;
	s11 =	sadd.s32 $0x1C00, s1;
	s8 =	smul.u32 $0x28000, s2  }
0x8: {  	_ =	strace $0x80000047;
	s12 =	sxor.u32 $0x3D, s2;
	s16 =	smul.u32 $0x50, s2  }
0x9: {  	s14 =	ssub.s32 $0x3E, s2;
	s31 =	ssub.s32 $0x2, s2;
	s13 =	smul.u32 $0x56, s12  }
0xa: {  	s30 =	smul.u32 $0x56, s14;
	s17 =	sshrl.u32 s31, $0x1;
	s26 =	sshrl.u32 s7, $0x1  }
0xb: {  	s6 =	sadd.s32 s7, s6;
	s8 =	sadd.s32 s10, s8;
	s17 =	ssub.s32 s31, s17  }
0xc: {  	s16 =	sadd.s32 s16, s29;
	s7 =	sadd.s32 s10, s4;
	s6 =	sshrl.u32 s6, $0x4  }
0xd: {  	s8 =	sshrl.u32 s8, $0x3;
	s13 =	sshrl.u32 s13, $0x8;
	s19 =	sshrl.u32 s16, $0x3  }
0xe: {  	s29 =	smax.u32 s17, $0x1;
	s15 =	sadd.s32 s6, s1;
	s1 =	sadd.s32 s8, s1  }
0xf: {  	s13 =	smul.u32 $0x3, s13;
	s6 =	sshrl.u32 s30, $0x8;
	s21 =	sadd.s32 s11, s19  }
0x10: {  	[dreg:$0x8] =	wrdreg s29;
	s18 =	smul.u32 $0x3, s6;
	s6 =	sxor.u32 $0x3F, s2  }
0x11: {  	s25 =	sadd.s32 $0xBA00, s15;
	s2 =	sadd.s32 s26, s3;
	[dreg:$0x5] =	wrdreg s21  }
0x12: {  	s1 =	sadd.s32 $0x5BA00, s1;
	s20 =	ssub.s32 s12, s13;
	[dreg:$0x6] =	wrdreg s25  }
0x13: {  	s12 =	smul.u32 $0x280, s5;
	[dreg:$0x7] =	wrdreg s1;
	s1 =	sshrl.u32 s28, $0x2  }
0x14: {  	s22 =	sor.u32 $0x8, s20;
	s23 =	ssub.s32 s14, s18;
	s1 =	sadd.s32 s1, s3  }
0x15: {  	s18 =	sadd.s32 $0x27240, s16;
	s16 =	sadd.s32 $0x140, s16;
	s8 =	sand.u32 $0xFF, s22  }
0x16: {  	s24 =	sor.u32 $0x8, s23;
	s30 =	sor.u32 $0x50, s12;
	s14 =	sadd.s32 $0xA0, s12  }
0x17: {  	[dreg:$0x9] =	wrdreg s1;
	s13 =	sadd.s32 $0xF0, s12;
	s16 =	sshrl.u32 s16, $0x3  }
0x18: {  	s23 =	sadd.s32 $0x190, s12;
	s9 =	sand.u32 $0xFF, s24;
	s31 =	sshll.u32 s30, $0x7  }
0x19: {  	s17 =	sshll.u32 s14, $0x7;
	s19 =	sshll.u32 s13, $0x7;
	s15 =	sadd.s32 s31, s3  }
0x1a: {  	s24 =	sadd.s32 $0x1E0, s12;
	s1 =	sadd.s32 s17, s3;
	[dreg:$0xa] =	wrdreg s15  }
0x1b: {  	s20 =	sadd.s32 s19, s3;
	s19 =	sshll.u32 s24, $0x7;
	[dreg:$0xd] =	wrdreg s1  }
0x1c: {  	s13 =	sshll.u32 s13, $0x4;
	[dreg:$0xe] =	wrdreg s20;
	s26 =	sadd.s32 s19, s3  }
0x1d: {  	s15 =	sshrl.u32 s18, $0x3;
	s19 =	sadd.s32 s13, s4;
	[dreg:$0x11] =	wrdreg s26  }
0x1e: {  	s10 =	sshll.u32 s30, $0x4;
	s15 =	sadd.s32 s15, s11;
	[dreg:$0x16] =	wrdreg s19  }
0x1f: {  	s18 =	sshll.u32 s23, $0x7;
	s11 =	sadd.s32 s16, s11;
	[dreg:$0xb] =	wrdreg s15  }
0x20: {  	s20 =	smul.u32 $0xA000, s5;
	s25 =	sadd.s32 s18, s3;
	[dreg:$0xc] =	wrdreg s11  }
0x21: {  	s16 =	sshll.u32 s14, $0x4;
	s26 =	sshrl.u32 s2, $0x3;
	[dreg:$0x10] =	wrdreg s25  }
0x22: {  	s11 =	sadd.s32 $0x140, s12;
	s15 =	sadd.s32 s10, s4;
	[dreg:$0x1b] =	wrdreg s26  }
0x23: {  	s28 =	sshrl.u32 s20, $0x2;
	s18 =	sadd.s32 s16, s4;
	[dreg:$0x14] =	wrdreg s15  }
0x24: {  	s12 =	sadd.s32 $0x230, s12;
	s31 =	sadd.s32 s28, s4;
	[dreg:$0x15] =	wrdreg s18  }
0x25: {  	s22 =	sshll.u32 s11, $0x7;
	s28 =	sshrl.u32 s7, $0x3;
	[dreg:$0x13] =	wrdreg s31  }
0x26: {  	s29 =	sshll.u32 s12, $0x7;
	s1 =	sadd.s32 s22, s3;
	[dreg:$0x1c] =	wrdreg s28  }
0x27: {  	s11 =	sshll.u32 s11, $0x4;
	s30 =	sadd.s32 s29, s3;
	[dreg:$0xf] =	wrdreg s1  }
0x28: {  	s20 =	sadd.s32 s11, s4;
	[dreg:$0x12] =	wrdreg s30  }
0x29: {  	s29 =	sadd.s32 $0x4E20, s21;
	[dreg:$0x17] =	wrdreg s20  }
0x2a: {  	s22 =	sshll.u32 s24, $0x4;
	s31 =	sadd.s32 $0x4E34, s21;
	[dreg:$0x1d] =	wrdreg s29  }
0x2b: {  	s17 =	simm.s32 $0xB;
	s24 =	sadd.s32 s22, s4;
	[dreg:$0x1f] =	wrdreg s31  }
0x2c: {  	s1 =	sshll.u32 s23, $0x4;
	s30 =	sadd.s32 $0x14, s21;
	[dreg:$0x19] =	wrdreg s24  }
0x2d: {  	s23 =	sshll.u32 s12, $0x4;
	s1 =	sadd.s32 s1, s4;
	[dreg:$0x1e] =	wrdreg s30  }
0x2e: {  	s13 =	simm.s32 $0x50;
	s25 =	sadd.s32 s23, s4;
	[dreg:$0x18] =	wrdreg s1  }
0x2f: {  	v0 =	vimm.bf16 $0.0e+00;
	v1 =	vimm.f32 $0.0e+00;
	v2 =	vimm.f32 $1.000000000e+00;
	s19 =	simm.s32 $0x0;
	s18 =	simm.s32 $0x7A80;
	[dreg:$0x1a] =	wrdreg s25  }
.LBB2_1:
0x30: {  	s1 =	simm.s32 $0x0;
	s2 =	rddreg [dreg:$0x5]  }
0x31: {  	[tilespmem:s1], [sflag:$0x1] =	stream.linear.gather [hbm4b:s2+s1], $0x50, $0x38;
	[tilespmem:$0x1E780] =	vst v63  }
0x32: {  	s28 =	rddreg [dreg:$0x1d];
	s5 =	simm.s32 $0x140  }
0x33: {  	[tilespmem:s5], [sflag:$0x1] =	stream.linear.gather [hbm4b:s28+s1], $0x50, $0x38;
	[tilespmem:$0x1E780] =	vst v63  }
0x34: {  	s29 =	rddreg [dreg:$0x1e]  }
0x35: {  	[tilespmem:s13], [sflag:$0x2] =	stream.linear.gather [hbm4b:s29+s1], $0x50, $0x38;
	[tilespmem:$0x1E780] =	vst v63  }
0x36: {  	s30 =	rddreg [dreg:$0x1f];
	s31 =	simm.s32 $0x190  }
0x37: {  	[tilespmem:s31], [sflag:$0x2] =	stream.linear.gather [hbm4b:s30+s1], $0x50, $0x38;
	[tilespmem:$0x1E780] =	vst v63  }
0x38: {  	s2 =	simm.s32 $0x0;
	s1 =	simm.s32 $0x0  }
.LBB2_2:
0x39: {  	p0 =	sne.s32 s2, $0x9FC0  }
.Ltmp0:
0x3a: {  	_ = 	snop;
	(pc) =	sbr.rel @p0 .LBB2_2-.Ltmp0, $4  }
0x3b: {  	s7 =	sand.u32 $0xE0, s1;
	s20 =	sand.u32 $0xFE00, s2  }
0x3c: {  	s20 =	sshrl.u32 s20, $0x2;
	s7 =	sshrl.u32 s7, $0x1  }
0x3d: {  	s7 =	sor.u32 s7, s20  }
0x3e: {  	s1 =	sadd.s32 $0x20, s1;
	s2 =	sadd.s32 $0x40, s2;
	[tilespmem:s7+$0x280] =	vst v0  }
0x3f: {  	s1 =	simm.s32 $0x40;
	s2 =	simm.s32 $0x0  }
.LBB2_4:
0x40: {  	p0 =	sne.s32 s1, $0x13C0;
	[tilespmem:s2+$0x7A80] =	vst v1;
	s2 =	smov.u32 s1;
	s1 =	sadd.s32 $0x40, s1  }
.Ltmp1:
0x41: {  	(pc) =	sbr.rel @p0 .LBB2_4-.Ltmp1, $2  }
0x42: {  	_ =	sdelay $0x2  }
0x43: {  	s2 =	sshra.s32 s2, $0x2  }
0x44: {  	[tilespmem:s2+$0x7A80] =	vst v1;
	s1 =	rddreg [dreg:$0x9];
	s11 =	simm.s32 $0x280  }
0x45: {  	[spmem:s1] =	stream.linear.scatter [tilespmem:s11], [sflag:$0xB], $0x2800, $0x38;
	[tilespmem:$0x1E780] =	vst v63  }
0x46: {  	_ =	swait.ge [sflag:s17], $0x2800  }
0x47: {  	[sflag:s17] =	ssyncset.done $0x0  }
0x48: {  	s12 =	rddreg [dreg:$0xa];
	[sflag:s17] =	ssyncadd.s32 $0xFFFFD800  }
0x49: {  	[spmem:s12] =	stream.linear.scatter [tilespmem:s11], [sflag:$0xB], $0x2800, $0x38;
	[tilespmem:$0x1E780] =	vst v63  }
0x4a: {  	_ =	swait.ge [sflag:s17], $0x2800  }
0x4b: {  	[sflag:s17] =	ssyncset.done $0x0  }
0x4c: {  	s14 =	rddreg [dreg:$0xd];
	[sflag:s17] =	ssyncadd.s32 $0xFFFFD800  }
0x4d: {  	[spmem:s14] =	stream.linear.scatter [tilespmem:s11], [sflag:$0xB], $0x2800, $0x38;
	[tilespmem:$0x1E780] =	vst v63  }
0x4e: {  	_ =	swait.ge [sflag:s17], $0x2800  }
0x4f: {  	[sflag:s17] =	ssyncset.done $0x0  }
0x50: {  	s15 =	rddreg [dreg:$0xe];
	[sflag:s17] =	ssyncadd.s32 $0xFFFFD800  }
0x51: {  	[spmem:s15] =	stream.linear.scatter [tilespmem:s11], [sflag:$0xB], $0x2800, $0x38;
	[tilespmem:$0x1E780] =	vst v63  }
0x52: {  	_ =	swait.ge [sflag:s17], $0x2800  }
0x53: {  	[sflag:s17] =	ssyncset.done $0x0  }
0x54: {  	s16 =	rddreg [dreg:$0xf];
	[sflag:s17] =	ssyncadd.s32 $0xFFFFD800  }
0x55: {  	[spmem:s16] =	stream.linear.scatter [tilespmem:s11], [sflag:$0xB], $0x2800, $0x38;
	[tilespmem:$0x1E780] =	vst v63  }
0x56: {  	_ =	swait.ge [sflag:s17], $0x2800  }
0x57: {  	[sflag:s17] =	ssyncset.done $0x0  }
0x58: {  	s20 =	rddreg [dreg:$0x10];
	[sflag:s17] =	ssyncadd.s32 $0xFFFFD800  }
0x59: {  	[spmem:s20] =	stream.linear.scatter [tilespmem:s11], [sflag:$0xB], $0x2800, $0x38;
	[tilespmem:$0x1E780] =	vst v63  }
0x5a: {  	_ =	swait.ge [sflag:s17], $0x2800  }
0x5b: {  	[sflag:s17] =	ssyncset.done $0x0  }
0x5c: {  	s21 =	rddreg [dreg:$0x11];
	[sflag:s17] =	ssyncadd.s32 $0xFFFFD800  }
0x5d: {  	[spmem:s21] =	stream.linear.scatter [tilespmem:s11], [sflag:$0xB], $0x2800, $0x38;
	[tilespmem:$0x1E780] =	vst v63  }
0x5e: {  	_ =	swait.ge [sflag:s17], $0x2800  }
0x5f: {  	[sflag:s17] =	ssyncset.done $0x0  }
0x60: {  	s22 =	rddreg [dreg:$0x12];
	[sflag:s17] =	ssyncadd.s32 $0xFFFFD800  }
0x61: {  	[spmem:s22] =	stream.linear.scatter [tilespmem:s11], [sflag:$0xB], $0x2800, $0x38;
	[tilespmem:$0x1E780] =	vst v63  }
0x62: {  	_ =	swait.ge [sflag:s17], $0x2800  }
0x63: {  	[sflag:s17] =	ssyncset.done $0x0  }
0x64: {  	s23 =	rddreg [dreg:$0x13];
	[sflag:s17] =	ssyncadd.s32 $0xFFFFD800  }
0x65: {  	[spmem:s23] =	stream.linear.scatter [tilespmem:s18], [sflag:$0xB], $0x500, $0x38;
	[tilespmem:$0x1E780] =	vst v63  }
0x66: {  	_ =	swait.ge [sflag:s17], $0x500  }
0x67: {  	[sflag:s17] =	ssyncset.done $0x0  }
0x68: {  	s24 =	rddreg [dreg:$0x14];
	[sflag:s17] =	ssyncadd.s32 $0xFFFFFB00  }
0x69: {  	[spmem:s24] =	stream.linear.scatter [tilespmem:s18], [sflag:$0xB], $0x500, $0x38;
	[tilespmem:$0x1E780] =	vst v63  }
0x6a: {  	_ =	swait.ge [sflag:s17], $0x500  }
0x6b: {  	[sflag:s17] =	ssyncset.done $0x0  }
0x6c: {  	s25 =	rddreg [dreg:$0x15];
	[sflag:s17] =	ssyncadd.s32 $0xFFFFFB00  }
0x6d: {  	[spmem:s25] =	stream.linear.scatter [tilespmem:s18], [sflag:$0xB], $0x500, $0x38;
	[tilespmem:$0x1E780] =	vst v63  }
0x6e: {  	_ =	swait.ge [sflag:s17], $0x500  }
0x6f: {  	[sflag:s17] =	ssyncset.done $0x0  }
0x70: {  	s26 =	rddreg [dreg:$0x16];
	[sflag:s17] =	ssyncadd.s32 $0xFFFFFB00  }
0x71: {  	[spmem:s26] =	stream.linear.scatter [tilespmem:s18], [sflag:$0xB], $0x500, $0x38;
	[tilespmem:$0x1E780] =	vst v63  }
0x72: {  	_ =	swait.ge [sflag:s17], $0x500  }
0x73: {  	[sflag:s17] =	ssyncset.done $0x0  }
0x74: {  	s28 =	rddreg [dreg:$0x17];
	[sflag:s17] =	ssyncadd.s32 $0xFFFFFB00  }
0x75: {  	[spmem:s28] =	stream.linear.scatter [tilespmem:s18], [sflag:$0xB], $0x500, $0x38;
	[tilespmem:$0x1E780] =	vst v63  }
0x76: {  	_ =	swait.ge [sflag:s17], $0x500  }
0x77: {  	[sflag:s17] =	ssyncset.done $0x0  }
0x78: {  	s29 =	rddreg [dreg:$0x18];
	[sflag:s17] =	ssyncadd.s32 $0xFFFFFB00  }
0x79: {  	[spmem:s29] =	stream.linear.scatter [tilespmem:s18], [sflag:$0xB], $0x500, $0x38;
	[tilespmem:$0x1E780] =	vst v63  }
0x7a: {  	_ =	swait.ge [sflag:s17], $0x500  }
0x7b: {  	[sflag:s17] =	ssyncset.done $0x0  }
0x7c: {  	s30 =	rddreg [dreg:$0x19];
	[sflag:s17] =	ssyncadd.s32 $0xFFFFFB00  }
0x7d: {  	[spmem:s30] =	stream.linear.scatter [tilespmem:s18], [sflag:$0xB], $0x500, $0x38;
	[tilespmem:$0x1E780] =	vst v63  }
0x7e: {  	_ =	swait.ge [sflag:s17], $0x500  }
0x7f: {  	[sflag:s17] =	ssyncset.done $0x0  }
0x80: {  	s31 =	rddreg [dreg:$0x1a];
	[sflag:s17] =	ssyncadd.s32 $0xFFFFFB00  }
0x81: {  	[spmem:s31] =	stream.linear.scatter [tilespmem:s18], [sflag:$0xB], $0x500, $0x38;
	[tilespmem:$0x1E780] =	vst v63  }
0x82: {  	_ =	swait.ge [sflag:s17], $0x500  }
0x83: {  	[sflag:s17] =	ssyncset.done $0x0  }
0x84: {  	s2 =	simm.s32 $0x0;
	s1 =	simm.s32 $0x40;
	[sflag:s17] =	ssyncadd.s32 $0xFFFFFB00  }
.LBB2_6:
0x85: {  	p0 =	sne.s32 s1, $0x13C0;
	[tilespmem:s2+$0x7A80] =	vst v2;
	s2 =	smov.u32 s1;
	s1 =	sadd.s32 $0x40, s1  }
.Ltmp2:
0x86: {  	(pc) =	sbr.rel @p0 .LBB2_6-.Ltmp2, $2  }
0x87: {  	_ =	sdelay $0x2  }
0x88: {  	s2 =	sshra.s32 s2, $0x2  }
0x89: {  	[tilespmem:s2+$0x7A80] =	vst v2;
	s7 =	simm.s32 $0x0  }
0x8a: {  	s1 =	simm.s32 $0x1;
	[bflag:$0x0] =	sbarrier.arrive $0xFFFF;
	s15 =	smulhi.u32 $0xAAAAAAAB, s7  }
0x8b: {  	s20 =	simm.s32 $0xFFFFFFFE;
	_ =	swait.ge [sflag:s1], $0x50  }
0x8c: {  	s21 =	smulhi.u32 $0xAAAAAAAB, s20;
	[sflag:s1] =	ssyncset.done $0x0;
	s2 =	sshrl.u32 s15, $0x1  }
0x8d: {  	[sflag:s1] =	ssyncadd.s32 $0xFFFFFFB0;
	s23 =	smul.u32 $0xFFFFFFF4, s2  }
0x8e: {  	s22 =	simm.s32 $0x280;
	_ =	swait.ge [sflag:s1], $0x50  }
0x8f: {  	s21 =	sshrl.u32 s21, $0x1;
	[sflag:s1] =	ssyncset.done $0x0;
	s16 =	sshra.s32 s23, $0x2  }
0x90: {  	s21 =	smul.u32 $0xFFFFFFF4, s21;
	[sflag:s1] =	ssyncadd.s32 $0xFFFFFFB0;
	s23 =	sadd.s32 $0x0, s16  }
0x91: {  	[tilespmem:s22], [sflag:$0x5] =	stream.indirect.gather [hbm4b:s0+s13], $0x80, s7, s13, $0xb8;
	[tilespmem:$0x1E780] =	vst v63  }
0x92: {  	s23 =	sadd.s32 $0x5, s23  }
0x93: {  	s21 =	sshra.s32 s21, $0x2;
	_ =	swait.ge [sflag:s23], $0x2800  }
0x94: {  	p1 =	por $0x1, $0x1;
	s21 =	sadd.s32 $0x6, s21;
	[sflag:s23] =	ssyncset.done $0x0  }
0x95: {  	[sflag:s23] =	ssyncadd.s32 $0xFFFFD800;
	s23 =	sadd.s32 @!p1 $0x0, s21  }
0x96: {  	s24 =	simm.s32 $0x2;
	_ =	swait.ge @!p1 [sflag:s23], $0x2800  }
0x97: {  	p2 =	sle.u32 s6, $0x2;
	s25 =	simm.s32 $0x1;
	[sflag:s23] =	ssyncset.done @!p1 $0x0  }
0x98: {  	p0 =	sle.u32 s6, $0x1;
	s24 =	sand.u32 @!p2 $0x3, s24;
	[sflag:s23] =	ssyncadd.s32 @!p1 $0xFFFFD800  }
0x99: {  	s25 =	sand.u32 @!p0 $0x3, s25;
	s26 =	smul.u32 @!p2 $0x50, s24;
	_ =	swait.ge @!p1 [sflag:s23], $0x500  }
0x9a: {  	s1 =	smulhi.u32 $0xAAAAAAAB, s1;
	[sflag:s23] =	ssyncset.done @!p1 $0x0;
	s10 =	rddreg [dreg:$0xc]  }
0x9b: {  	[sflag:s23] =	ssyncadd.s32 @!p1 $0xFFFFFB00;
	s23 =	sadd.s32 @!p2 $0x1, s24;
	s24 =	simm.s32 @!p2 $0x0  }
0x9c: {  	[tilespmem:s26], [sflag:s23] =	stream.linear.gather @!p2 [hbm4b:s10+s24], $0x50, $0x38;
	[tilespmem:$0x1E780] =	vst v63  }
0x9d: {  	s1 =	sshrl.u32 s1, $0x1;
	s5 =	rddreg [dreg:$0xb];
	s26 =	sadd.s32 @!p2 $0x140, s26  }
0x9e: {  	[tilespmem:s26], [sflag:s23] =	stream.linear.gather @!p2 [hbm4b:s5+s24], $0x50, $0x38;
	[tilespmem:$0x1E780] =	vst v63  }
0x9f: {  	s28 =	smul.u32 $0xFFFFFFF4, s1;
	s23 =	sadd.s32 @!p0 $0x1, s25  }
0xa0: {  	s1 =	smul.u32 $0xFFFE2000, s1;
	_ =	swait.ge @!p0 [sflag:s23], $0x50  }
0xa1: {  	s29 =	sand.u32 $0x3, s7;
	s2 =	smul.u32 $0xFFFE2000, s2;
	[sflag:s23] =	ssyncset.done @!p0 $0x0  }
0xa2: {  	s28 =	sshra.s32 s28, $0x2;
	s1 =	sshra.s32 s1, $0x2;
	[sflag:s23] =	ssyncadd.s32 @!p0 $0xFFFFFFB0  }
0xa3: {  	s1 =	sadd.s32 $0x2A80, s1;
	s25 =	smul.u32 @!p0 $0x140, s25;
	_ =	swait.ge @!p0 [sflag:s23], $0x50  }
0xa4: {  	s24 =	sadd.s32 $0x6, s28;
	s28 =	simm.s32 @!p0 $0x50;
	[sflag:s23] =	ssyncset.done @!p0 $0x0  }
0xa5: {  	s24 =	sadd.s32 @!p0 $0x0, s24;
	s25 =	sshrl.u32 @!p0 s25, $0x2;
	[sflag:s23] =	ssyncadd.s32 @!p0 $0xFFFFFFB0  }
0xa6: {  	[tilespmem:s1], [sflag:s24] =	stream.indirect.gather @!p0 [hbm4b:s0+s28], $0x80, s25, s28, $0xb8;
	[tilespmem:$0x1E780] =	vst v63  }
0xa7: {  	s2 =	sshra.s32 s2, $0x2;
	s26 =	smul.u32 $0x140, s29;
	p0 =	sne.s32 s6, $0x1  }
.Ltmp3:
0xa8: {  	s31 =	sadd.s32 $0x280, s2;
	s22 =	sadd.s32 $0x8, s16;
	(pc) =	sbr.rel @!p0 .LBB2_9-.Ltmp3, $4  }
0xa9: {  	s2 =	sadd.s32 $0x0, s22;
	s21 =	simm.s32 $0x2A80;
	s22 =	sadd.s32 $0x14, s10  }
0xaa: {  	s30 =	sshrl.u32 s26, $0x2;
	s26 =	simm.s32 $0x2;
	s23 =	sadd.s32 $0x14, s5  }
0xab: {  	s1 =	sadd.s32 $0x140, s30;
	s25 =	simm.s32 $0x1;
	s24 =	simm.s32 $0x5280  }
0xac: {  	[spmem:s3] =	stream.indirect.scatter.add.bf16 [tilespmem:s31], [sflag:s2], $0x80, s1, s13, $0xb8;
	[tilespmem:$0x1E780] =	vst v63  }
.LBB2_8:
0xad: {  	s29 =	smulhi.u32 $0xAAAAAAAB, s25;
	s20 =	sadd.s32 $0x1, s20;
	s7 =	sadd.s32 $0x4, s7  }
0xae: {  	[spmem:s4] =	stream.indirect.scatter.add.f32 [tilespmem:s18], [sflag:s2], $0x10, s1, s13, $0xb8;
	[tilespmem:$0x1E780] =	vst v63  }
0xaf: {  	s28 =	smov.u32 s21;
	s10 =	smov.u32 s22;
	s30 =	smov.u32 s25  }
0xb0: {  	s31 =	smov.u32 s24;
	s1 =	smulhi.u32 $0xAAAAAAAB, s20;
	s2 =	sshrl.u32 s29, $0x1  }
0xb1: {  	s21 =	sadd.s32 $0x2800, s21;
	s29 =	smul.u32 $0xFFFFFFF4, s2  }
0xb2: {  	s22 =	sadd.s32 $0x14, s22;
	s1 =	sshrl.u32 s1, $0x1;
	s11 =	smul.u32 $0xFFFE2000, s2  }
0xb3: {  	s12 =	smul.u32 $0xFFFFFFF4, s1;
	s1 =	sshra.s32 s29, $0x2;
	s29 =	sshra.s32 s7, $0x2  }
0xb4: {  	s5 =	sadd.s32 s29, s1;
	s2 =	sadd.s32 $0x8, s1;
	s1 =	sshra.s32 s11, $0x2  }
0xb5: {  	s11 =	sshra.s32 s12, $0x2;
	s12 =	smulhi.u32 $0xAAAAAAAB, s26;
	s5 =	sadd.s32 $0x5, s5  }
0xb6: {  	p1 =	slt.u32 s25, $0x2;
	s11 =	sadd.s32 $0x6, s11;
	_ =	swait.ge [sflag:s5], $0x2800  }
0xb7: {  	s15 =	sshra.s32 @!p1 s7, $0x2;
	s12 =	sshrl.u32 s12, $0x1;
	[sflag:s5] =	ssyncset.done $0x0  }
0xb8: {  	s16 =	smul.u32 $0xFFFFFFF4, s12;
	[sflag:s5] =	ssyncadd.s32 $0xFFFFD800;
	s5 =	sadd.s32 @!p1 s15, s11  }
0xb9: {  	s11 =	smul.u32 $0xFFFE2000, s12;
	s12 =	sadd.s32 $0x1, s25;
	_ =	swait.ge @!p1 [sflag:s5], $0x2800  }
0xba: {  	s15 =	sshra.s32 s16, $0x2;
	s16 =	sadd.s32 $0x2, s25;
	[sflag:s5] =	ssyncset.done @!p1 $0x0  }
0xbb: {  	p2 =	sge.u32 s16, s6;
	s25 =	sadd.s32 $0xFFFFFFFF, s16;
	[sflag:s5] =	ssyncadd.s32 @!p1 $0xFFFFD800  }
0xbc: {  	s15 =	sadd.s32 $0x6, s15;
	s16 =	sand.u32 @!p2 $0x3, s16;
	_ =	swait.ge @!p1 [sflag:s5], $0x500  }
0xbd: {  	p0 =	sge.u32 s25, s6;
	s14 =	smul.u32 @!p2 $0x50, s16;
	[sflag:s5] =	ssyncset.done @!p1 $0x0  }
0xbe: {  	[sflag:s5] =	ssyncadd.s32 @!p1 $0xFFFFFB00;
	s5 =	sadd.s32 @!p2 $0x1, s16;
	s16 =	simm.s32 @!p2 $0x0  }
0xbf: {  	[tilespmem:s14], [sflag:s5] =	stream.linear.gather @!p2 [hbm4b:s10+s16], $0x50, $0x38;
	[tilespmem:$0x1E780] =	vst v63  }
0xc0: {  	s12 =	sand.u32 @!p0 $0x3, s12;
	s10 =	sadd.s32 @!p2 $0x140, s14;
	s14 =	sshra.s32 @!p0 s7, $0x2  }
0xc1: {  	[tilespmem:s10], [sflag:s5] =	stream.linear.gather @!p2 [hbm4b:s23+s16], $0x50, $0x38;
	[tilespmem:$0x1E780] =	vst v63  }
0xc2: {  	s5 =	sadd.s32 @!p0 $0x1, s12;
	s10 =	smul.u32 @!p0 $0x140, s12;
	s12 =	sadd.s32 @!p0 s14, s15  }
0xc3: {  	s11 =	sshra.s32 s11, $0x2;
	p1 =	sne.s32 s25, s6;
	_ =	swait.ge @!p0 [sflag:s5], $0x50  }
0xc4: {  	s23 =	sadd.s32 $0x14, s23;
	s10 =	sshrl.u32 @!p0 s10, $0x2;
	[sflag:s5] =	ssyncset.done @!p0 $0x0  }
0xc5: {  	s24 =	sadd.s32 $0x2800, s24;
	s14 =	sand.u32 $0x3, s30;
	[sflag:s5] =	ssyncadd.s32 @!p0 $0xFFFFFFB0  }
0xc6: {  	s11 =	sadd.s32 s11, s31;
	s14 =	smul.u32 $0x140, s14;
	_ =	swait.ge @!p0 [sflag:s5], $0x50  }
.Ltmp4:
0xc7: {  	s15 =	simm.s32 @!p0 $0x50;
	[sflag:s5] =	ssyncset.done @!p0 $0x0;
	(pc) =	sbr.rel @p1 .LBB2_8-.Ltmp4, $4  }
0xc8: {  	s16 =	sadd.s32 s1, s28;
	s1 =	sshrl.u32 s14, $0x2;
	[sflag:s5] =	ssyncadd.s32 @!p0 $0xFFFFFFB0  }
0xc9: {  	[tilespmem:s11], [sflag:s12] =	stream.indirect.gather @!p0 [hbm4b:s0+s15], $0x80, s10, s15, $0xb8;
	[tilespmem:$0x1E780] =	vst v63  }
0xca: {  	s26 =	sadd.s32 $0x1, s26;
	s2 =	sadd.s32 s29, s2;
	s1 =	sadd.s32 $0x140, s1  }
0xcb: {  	[spmem:s3] =	stream.indirect.scatter.add.bf16 [tilespmem:s16], [sflag:s2], $0x80, s1, s13, $0xb8;
	[tilespmem:$0x1E780] =	vst v63  }
.LBB2_9:
0xcc: {  	[spmem:s4] =	stream.indirect.scatter.add.f32 [tilespmem:s18], [sflag:s2], $0x10, s1, s13, $0xb8;
	[tilespmem:$0x1E780] =	vst v63  }
0xcd: {  	_ =	swait.ge [sflag:s8], $0x2800  }
0xce: {  	[sflag:s8] =	ssyncset.done $0x0  }
0xcf: {  	[sflag:s8] =	ssyncadd.s32 $0xFFFFD800  }
0xd0: {  	_ =	swait.ge [sflag:s8], $0x500  }
0xd1: {  	[sflag:s8] =	ssyncset.done $0x0  }
0xd2: {  	[sflag:s8] =	ssyncadd.s32 $0xFFFFFB00  }
0xd3: {  	_ =	swait.ge [sflag:s9], $0x2800  }
0xd4: {  	[sflag:s9] =	ssyncset.done $0x0  }
0xd5: {  	[sflag:s9] =	ssyncadd.s32 $0xFFFFD800  }
0xd6: {  	_ =	swait.ge [sflag:s9], $0x500  }
0xd7: {  	[sflag:s9] =	ssyncset.done $0x0  }
0xd8: {  	[sflag:s9] =	ssyncadd.s32 $0xFFFFFB00  }
0xd9: {  	s26 =	stileid.u32;
	[bflag:$0x0] =	sbarrier.arrive $0xFFFF  }
0xda: {  	s1 =	sshll.u32 s26, $0x6;
	s28 =	rddreg [dreg:$0x6]  }
0xdb: {  	s1 =	sor.u32 $0x1C0B, s1;
	s5 =	rddreg [dreg:$0x1b]  }
0xdc: {  	[hbm:s28], [sflag:s1] =	dma.local [spmem:s5], $0x2800  }
0xdd: {  	_ =	swait.ge [sflag:s17], $0x2800  }
0xde: {  	[sflag:s17] =	ssyncset.done $0x0;
	s29 =	rddreg [dreg:$0x7]  }
0xdf: {  	s30 =	rddreg [dreg:$0x1c];
	[sflag:s17] =	ssyncadd.s32 $0xFFFFD800  }
0xe0: {  	[hbm:s29], [sflag:s1] =	dma.local [spmem:s30], $0x500  }
0xe1: {  	_ =	swait.ge [sflag:s17], $0x500  }
0xe2: {  	s19 =	sadd.s32 $0x1, s19;
	s31 =	rddreg [dreg:$0x8]  }
0xe3: {  	p0 =	sne.s32 s19, s31  }
.Ltmp5:
0xe4: {  	_ = 	snop;
	(pc) =	sbr.rel @p0 .LBB2_1-.Ltmp5, $3  }
0xe5: {  	_ =	sdelay $0x1  }
0xe6: {  	[sflag:s17] =	ssyncset.done $0x0  }
0xe7: {  	[sflag:s17] =	ssyncadd.s32 $0xFFFFFB00  }
0xe8: {  	_ =	sfence.sel $0x180000  }
0xe9: {  	[bflag:$0x0] =	sbarrier.arrive $0xFFFF  }
0xea: {  	_ =	strace $0x90000047  }
0xeb: {  	s0 =	stileid.u32;
	[bflag:$0x2] =	sbarrier.arrive $0xFFFF  }
0xec: {  	p0 =	sne.s32 s0, $0x0;
	s0 =	rddreg [dreg:$0x4]  }
0xed: {  	s0 =	sadd.s32 @!p0 $0x100000, s0  }
0xee: {  	[sflag:s0] =	ssyncadd.tile.s32 @!p0 $0x1;
	_ =	shalt  }
.Lfunc_end2:
_tile_overlayer_lowered:
.L_overlay_start_2:
0xef: {  	(tag) =	ssettag $0x2  }
0xf0: {  	s0 =	rddreg [dreg:$0x0];
	s2 =	stileid.u32  }
0xf1: {  	s1 =	rddreg [dreg:$0x1];
	p0 =	sne.s32 s2, $0x0  }
0xf2: {  	s3 =	rddreg [dreg:$0x2];
	[bflag:$0x3] =	sbarrier.arrive $0xFFFF;
	s2 =	simm.s32 @!p0 $0x1C0B  }
0xf3: {  	[timem:s3], [sflag:s2] =	dma.local @!p0 [hbm:s0], s1  }
0xf4: {  	s0 =	simm.s32 @!p0 $0xB  }
0xf5: {  	_ =	swait.ge @!p0 [sflag:s0], s1  }
0xf6: {  	s1 =	ssub.s32 @!p0 $0x0, s1;
	[sflag:s0] =	ssyncset.done @!p0 $0x0  }
0xf7: {  	[sflag:s0] =	ssyncadd.s32 @!p0 s1  }
0xf8: {  	[bflag:$0x3] =	sbarrier.arrive $0xFFFF  }
0xf9: {  	_ =	shalt  }

</sc_bundles>
